<compile_context>
chip_gen: v7x
topology: tpu7x:2x2x1
jax: 0.10.2.dev20260603
libtpu: 0.0.44.dev20260713+nightly
codegen_flags: <defaults>
</compile_context>

<pallas_src>
import functools
import jax
import jax.numpy as jnp
from jax import lax
from jax.experimental import pallas as pl
from jax.experimental.pallas import tpu as pltpu
from jax.experimental.pallas import tpu_sc as plsc

NC = 2
NS = 16
NW = NC * NS
F = 128
B = 128


def _mm_body(x_ref, wb_ref, wa_ref, wc_ref, bb_ref, ba_ref, bc_ref,
             hidden_ref, dense_ref):
    xv = x_ref[...]
    hidden_ref[...] = jnp.dot(xv, wb_ref[...], preferred_element_type=jnp.float32)
    wd = (wc_ref[...] - wa_ref[...]) * (1.0 / 3.0)
    bias = bb_ref[...] + (bc_ref[...] - ba_ref[...]) * (1.0 / 3.0)
    dense_ref[...] = jnp.dot(jnp.abs(xv), wd, preferred_element_type=jnp.float32) + bias


def _combine_body(p0_ref, p1_ref, d_ref, out_ref):
    out_ref[...] = p0_ref[0] + p1_ref[0] + d_ref[...]


def _scale_rows(buf, wv, j):
    def group_body(g, carry2):
        wvec16 = wv[j, pl.ds(g * 16, 16)]
        for i in range(16):
            e = g * 16 + i
            wbc = jnp.full((16,), wvec16[i], jnp.float32)
            for cc in range(F // 16):
                sl = pl.ds(cc * 16, 16)
                buf[e, sl] = buf[e, sl] * wbc
        return carry2

    lax.fori_loop(0, B // 16, group_body, 0)


def _edge_body(hidden_hbm, col_hbm, row_hbm, w_hbm, zeros_hbm, out_hbm,
               colv, rowv, wv, buf, acc, gsem, nsteps):
    c = lax.axis_index("c")
    s = lax.axis_index("s")
    wid = c * NS + s
    stripe = acc.shape[0] // NS

    pltpu.sync_copy(zeros_hbm, acc.at[pl.ds(s * stripe, stripe)])

    pltpu.sync_copy(col_hbm.at[wid], colv)
    pltpu.sync_copy(row_hbm.at[wid], rowv)
    pltpu.sync_copy(w_hbm.at[wid], wv)

    plsc.subcore_barrier()

    def batch_body(j, carry):
        pltpu.async_copy(hidden_hbm.at[colv.at[j]], buf, gsem).wait()
        _scale_rows(buf, wv, j)
        pltpu.sync_copy(buf, acc.at[rowv.at[j]], add=True)
        return carry

    lax.fori_loop(0, nsteps, batch_body, 0)

    plsc.subcore_barrier()

    pltpu.sync_copy(acc.at[pl.ds(s * stripe, stripe)],
                    out_hbm.at[c, pl.ds(s * stripe, stripe)])


def kernel(x, edge_index, edge_weight, w_b, w_a, w_c, b_b, b_a, b_c):
    n, f_in = x.shape
    f_out = w_b.shape[1]
    e = edge_weight.shape[0]

    row = edge_index[0].astype(jnp.int32)
    col = edge_index[1].astype(jnp.int32)
    w = edge_weight.astype(jnp.float32)

    stripe = -(-n // (NS * 8)) * 8
    n_pad = stripe * NS
    per_w = -(-e // (NW * B)) * B
    e_pad = per_w * NW
    if e_pad != e:
        pad = e_pad - e
        spare = max(n_pad - n, 1)
        pad_rows = n + (jnp.arange(pad, dtype=jnp.int32) % spare)
        pad_cols = jnp.arange(pad, dtype=jnp.int32) % n
        row = jnp.concatenate([row, pad_rows])
        col = jnp.concatenate([col, pad_cols])
        w = jnp.concatenate([w, jnp.zeros((pad,), jnp.float32)])
    nsteps = per_w // B
    col3 = col.reshape(NW, nsteps, B)
    row3 = row.reshape(NW, nsteps, B)
    w3 = w.reshape(NW, nsteps, B)

    bm = 1000
    grid = n // bm
    hidden, dense = pl.pallas_call(
        _mm_body,
        grid=(grid,),
        in_specs=[
            pl.BlockSpec((bm, f_in), lambda i: (i, 0)),
            pl.BlockSpec((f_in, f_out), lambda i: (0, 0)),
            pl.BlockSpec((f_in, f_out), lambda i: (0, 0)),
            pl.BlockSpec((f_in, f_out), lambda i: (0, 0)),
            pl.BlockSpec((1, f_out), lambda i: (0, 0)),
            pl.BlockSpec((1, f_out), lambda i: (0, 0)),
            pl.BlockSpec((1, f_out), lambda i: (0, 0)),
        ],
        out_specs=[
            pl.BlockSpec((bm, f_out), lambda i: (i, 0)),
            pl.BlockSpec((bm, f_out), lambda i: (i, 0)),
        ],
        out_shape=[
            jax.ShapeDtypeStruct((n, f_out), jnp.float32),
            jax.ShapeDtypeStruct((n, f_out), jnp.float32),
        ],
    )(x, w_b, w_a, w_c, b_b, b_a, b_c)

    stripe = -(-n // (NS * 8)) * 8
    n_pad = stripe * NS
    zeros = jnp.zeros((stripe, f_out), jnp.float32)
    mesh = plsc.VectorSubcoreMesh(core_axis_name="c", subcore_axis_name="s",
                                  num_cores=NC, num_subcores=NS)
    partials = pl.kernel(
        functools.partial(_edge_body, nsteps=nsteps),
        out_type=jax.ShapeDtypeStruct((NC, n_pad, f_out), jnp.float32),
        mesh=mesh,
        scratch_types=[
            pltpu.VMEM((nsteps, B), jnp.int32),
            pltpu.VMEM((nsteps, B), jnp.int32),
            pltpu.VMEM((nsteps, B), jnp.float32),
            pltpu.VMEM((B, f_out), jnp.float32),
            pltpu.VMEM_SHARED((n_pad, f_out), jnp.float32),
            pltpu.SemaphoreType.DMA,
        ],
    )(hidden, col3, row3, w3, zeros)

    out = pl.pallas_call(
        _combine_body,
        grid=(grid,),
        in_specs=[
            pl.BlockSpec((1, bm, f_out), lambda i: (0, i, 0)),
            pl.BlockSpec((1, bm, f_out), lambda i: (1, i, 0)),
            pl.BlockSpec((bm, f_out), lambda i: (i, 0)),
        ],
        out_specs=pl.BlockSpec((bm, f_out), lambda i: (i, 0)),
        out_shape=jax.ShapeDtypeStruct((n, f_out), jnp.float32),
    )(partials, partials, dense)
    return out

# --- scband reference (transcript-rebuilt; emitter-appended) ---
"""Pipeline reference for scband-fuzzy-graph-conv-31318901522778 (READ-ONLY COPY).

The authoritative reference and input builder live on the scoring server;
editing this copy changes nothing except your own understanding.
"""

import jax, jax.numpy as jnp
import numpy as np

N = 10000
E = 320000
F_IN = 128
F_OUT = 128

def setup_inputs(seed: int = 0) -> dict:
    key = jax.random.key(seed)
    ks = jax.random.split(key, 9)
    x = jax.random.normal(ks[0], (N, F_IN), dtype=jnp.float32)
    edge_index = jax.random.randint(ks[1], (2, E), 0, N, dtype=jnp.int64)
    edge_weight = jax.random.uniform(ks[2], (E,), dtype=jnp.float32)
    # learned parameters (triangle fuzzy membership):
    # w_b initialized by reset_parameters (glorot-like), w_a/w_c uniform(0.02, 0.05)
    w_b = jax.random.normal(ks[3], (F_IN, F_OUT), dtype=jnp.float32) * (1.0 / np.sqrt(F_IN))
    w_a = jax.random.uniform(ks[4], (F_IN, F_OUT), minval=0.02, maxval=0.05, dtype=jnp.float32)
    w_c = jax.random.uniform(ks[5], (F_IN, F_OUT), minval=0.02, maxval=0.05, dtype=jnp.float32)
    b_b = jax.random.normal(ks[6], (1, F_OUT), dtype=jnp.float32) * 0.05
    b_a = jax.random.uniform(ks[7], (1, F_OUT), minval=0.02, maxval=0.05, dtype=jnp.float32)
    b_c = jax.random.uniform(ks[8], (1, F_OUT), minval=0.02, maxval=0.05, dtype=jnp.float32)
    return {"x": x, "edge_index": edge_index, "edge_weight": edge_weight,
            "w_b": w_b, "w_a": w_a, "w_c": w_c, "b_b": b_b, "b_a": b_a, "b_c": b_c}

def reference(x, edge_index, edge_weight, w_b, w_a, w_c, b_b, b_a, b_c):
    # FuzzyGraphConv.forward with mm_shape='triangle', alpha=None, int_prod=False
    row = edge_index[0]  # destination rows of sparse adj
    col = edge_index[1]  # source cols of sparse adj
    # gcn: hidden = x @ w_b; center = spmm(adj, hidden) + b_b
    hidden = x @ w_b
    gathered = jnp.take(hidden, col, axis=0) * edge_weight[:, None]
    agg = jax.ops.segment_sum(gathered, row, num_segments=N)
    center = agg + b_b
    # fuzzy_scope: |x| @ w_a, |x| @ w_c (+ biases)
    ax = jnp.abs(x)
    scope_l = ax @ w_a + b_a
    scope_r = ax @ w_c + b_c
    HL = center - scope_l
    HR = center + scope_r
    # defuzzify (alpha is None): (center + HL + HR) / 3
    out = (1.0 * center + HL + HR) / 3.0
    return out

if __name__ == "__main__":
    import jax
    _d = setup_inputs()
    print(jax.jit(kernel)(*tuple(_d.values())))

</pallas_src>

<mosaic_0001>
#map = affine_map<(d0, d1) -> (0, 0)>
#map1 = affine_map<(d0, d1) -> (0, 0, 0)>
module attributes {stable_mosaic.version = 14 : i64} {
  func.func @_edge_body(%arg0: i32, %arg1: i32, %arg2: memref<10000x128xf32, #tpu.memory_space<hbm>>, %arg3: memref<32x79x128xi32, #tpu.memory_space<hbm>>, %arg4: memref<32x79x128xi32, #tpu.memory_space<hbm>>, %arg5: memref<32x79x128xf32, #tpu.memory_space<hbm>>, %arg6: memref<632x128xf32, #tpu.memory_space<hbm>>, %arg7: memref<2x10112x128xf32, #tpu.memory_space<hbm>>, %arg8: memref<79x128xi32, #tpu.memory_space<vmem>>, %arg9: memref<79x128xi32, #tpu.memory_space<vmem>>, %arg10: memref<79x128xf32, #tpu.memory_space<vmem>>, %arg11: memref<128x128xf32, #tpu.memory_space<vmem>>, %arg12: memref<10112x128xf32, #tpu.memory_space<vmem_shared>>, %arg13: memref<!tpu.dma_semaphore, #tpu.memory_space<semaphore_mem>>) attributes {dimension_semantics = [#tpu.dimension_semantics<core_parallel>, #tpu.dimension_semantics<subcore_parallel>], iteration_bounds = array<i64: 2, 16>, scalar_prefetch = 0 : i64, scratch_operands = 6 : i64, tpu.core_type = #tpu.core_type<sc_vector_subcore>, window_params = [{transform_indices = #map}, {transform_indices = #map1}, {transform_indices = #map1}, {transform_indices = #map1}, {transform_indices = #map}, {transform_indices = #map1}]} {
    %mul3A = arith.constant 16 : i32
    %mul3A_0 = arith.muli %arg0, %mul3A : i32
    %add3A = arith.addi %mul3A_0, %arg1 : i32
    %mul3A_1 = arith.constant 632 : i32
    %mul3A_2 = arith.muli %arg1, %mul3A_1 : i32
    "tpu.region"() ({
      %run_scoped3A = tpu.sem_alloc : memref<!tpu.dma_semaphore, #tpu.memory_space<semaphore_mem>>
      %dma_start3A = arith.constant 0 : i32
      %dma_start3A_13 = tpu.memref_slice %arg12[%mul3A_2, %dma_start3A] : memref<10112x128xf32, #tpu.memory_space<vmem_shared>> -> memref<632x128xf32, #tpu.memory_space<vmem_shared>>
      tpu.enqueue_dma source(%arg6 : memref<632x128xf32, #tpu.memory_space<hbm>>) target(%dma_start3A_13 : memref<632x128xf32, #tpu.memory_space<vmem_shared>>) target_semaphore(%run_scoped3A : memref<!tpu.dma_semaphore, #tpu.memory_space<semaphore_mem>>)
      %dma_wait3A = arith.constant 0 : i32
      %dma_wait3A_14 = tpu.memref_slice %arg12[%mul3A_2, %dma_wait3A] : memref<10112x128xf32, #tpu.memory_space<vmem_shared>> -> memref<632x128xf32, #tpu.memory_space<vmem_shared>>
      tpu.wait_dma2 semaphore(%run_scoped3A : memref<!tpu.dma_semaphore, #tpu.memory_space<semaphore_mem>>) src(%arg6 : memref<632x128xf32, #tpu.memory_space<hbm>>) dst(%dma_wait3A_14 : memref<632x128xf32, #tpu.memory_space<vmem_shared>>)
      tpu.yield
    }) : () -> ()
    "tpu.region"() ({
      %run_scoped3A = tpu.sem_alloc : memref<!tpu.dma_semaphore, #tpu.memory_space<semaphore_mem>>
      %dma_start3A = arith.constant 0 : i32
      %dma_start3A_13 = arith.constant 0 : i32
      %dma_start3A_14 = tpu.memref_slice %arg3[%add3A, %dma_start3A, %dma_start3A_13] : memref<32x79x128xi32, #tpu.memory_space<hbm>> -> memref<1x79x128xi32, #tpu.memory_space<hbm>>
      %dma_start3A_15 = tpu.memref_squeeze %dma_start3A_14 : memref<1x79x128xi32, #tpu.memory_space<hbm>> -> memref<79x128xi32, #tpu.memory_space<hbm>>
      %dma_start3A_16 = arith.constant 0 : i32
      %dma_start3A_17 = arith.constant 0 : i32
      %dma_start3A_18 = tpu.memref_slice %arg3[%add3A, %dma_start3A_16, %dma_start3A_17] : memref<32x79x128xi32, #tpu.memory_space<hbm>> -> memref<1x79x128xi32, #tpu.memory_space<hbm>>
      %dma_start3A_19 = tpu.memref_squeeze %dma_start3A_18 : memref<1x79x128xi32, #tpu.memory_space<hbm>> -> memref<79x128xi32, #tpu.memory_space<hbm>>
      tpu.enqueue_dma source(%dma_start3A_19 : memref<79x128xi32, #tpu.memory_space<hbm>>) target(%arg8 : memref<79x128xi32, #tpu.memory_space<vmem>>) target_semaphore(%run_scoped3A : memref<!tpu.dma_semaphore, #tpu.memory_space<semaphore_mem>>)
      %dma_wait3A = arith.constant 0 : i32
      %dma_wait3A_20 = arith.constant 0 : i32
      %dma_wait3A_21 = tpu.memref_slice %arg3[%add3A, %dma_wait3A, %dma_wait3A_20] : memref<32x79x128xi32, #tpu.memory_space<hbm>> -> memref<1x79x128xi32, #tpu.memory_space<hbm>>
      %dma_wait3A_22 = tpu.memref_squeeze %dma_wait3A_21 : memref<1x79x128xi32, #tpu.memory_space<hbm>> -> memref<79x128xi32, #tpu.memory_space<hbm>>
      %dma_wait3A_23 = arith.constant 0 : i32
      %dma_wait3A_24 = arith.constant 0 : i32
      %dma_wait3A_25 = tpu.memref_slice %arg3[%add3A, %dma_wait3A_23, %dma_wait3A_24] : memref<32x79x128xi32, #tpu.memory_space<hbm>> -> memref<1x79x128xi32, #tpu.memory_space<hbm>>
      %dma_wait3A_26 = tpu.memref_squeeze %dma_wait3A_25 : memref<1x79x128xi32, #tpu.memory_space<hbm>> -> memref<79x128xi32, #tpu.memory_space<hbm>>
      tpu.wait_dma2 semaphore(%run_scoped3A : memref<!tpu.dma_semaphore, #tpu.memory_space<semaphore_mem>>) src(%dma_wait3A_26 : memref<79x128xi32, #tpu.memory_space<hbm>>) dst(%arg8 : memref<79x128xi32, #tpu.memory_space<vmem>>)
      tpu.yield
    }) : () -> ()
    "tpu.region"() ({
      %run_scoped3A = tpu.sem_alloc : memref<!tpu.dma_semaphore, #tpu.memory_space<semaphore_mem>>
      %dma_start3A = arith.constant 0 : i32
      %dma_start3A_13 = arith.constant 0 : i32
      %dma_start3A_14 = tpu.memref_slice %arg4[%add3A, %dma_start3A, %dma_start3A_13] : memref<32x79x128xi32, #tpu.memory_space<hbm>> -> memref<1x79x128xi32, #tpu.memory_space<hbm>>
      %dma_start3A_15 = tpu.memref_squeeze %dma_start3A_14 : memref<1x79x128xi32, #tpu.memory_space<hbm>> -> memref<79x128xi32, #tpu.memory_space<hbm>>
      %dma_start3A_16 = arith.constant 0 : i32
      %dma_start3A_17 = arith.constant 0 : i32
      %dma_start3A_18 = tpu.memref_slice %arg4[%add3A, %dma_start3A_16, %dma_start3A_17] : memref<32x79x128xi32, #tpu.memory_space<hbm>> -> memref<1x79x128xi32, #tpu.memory_space<hbm>>
      %dma_start3A_19 = tpu.memref_squeeze %dma_start3A_18 : memref<1x79x128xi32, #tpu.memory_space<hbm>> -> memref<79x128xi32, #tpu.memory_space<hbm>>
      tpu.enqueue_dma source(%dma_start3A_19 : memref<79x128xi32, #tpu.memory_space<hbm>>) target(%arg9 : memref<79x128xi32, #tpu.memory_space<vmem>>) target_semaphore(%run_scoped3A : memref<!tpu.dma_semaphore, #tpu.memory_space<semaphore_mem>>)
      %dma_wait3A = arith.constant 0 : i32
      %dma_wait3A_20 = arith.constant 0 : i32
      %dma_wait3A_21 = tpu.memref_slice %arg4[%add3A, %dma_wait3A, %dma_wait3A_20] : memref<32x79x128xi32, #tpu.memory_space<hbm>> -> memref<1x79x128xi32, #tpu.memory_space<hbm>>
      %dma_wait3A_22 = tpu.memref_squeeze %dma_wait3A_21 : memref<1x79x128xi32, #tpu.memory_space<hbm>> -> memref<79x128xi32, #tpu.memory_space<hbm>>
      %dma_wait3A_23 = arith.constant 0 : i32
      %dma_wait3A_24 = arith.constant 0 : i32
      %dma_wait3A_25 = tpu.memref_slice %arg4[%add3A, %dma_wait3A_23, %dma_wait3A_24] : memref<32x79x128xi32, #tpu.memory_space<hbm>> -> memref<1x79x128xi32, #tpu.memory_space<hbm>>
      %dma_wait3A_26 = tpu.memref_squeeze %dma_wait3A_25 : memref<1x79x128xi32, #tpu.memory_space<hbm>> -> memref<79x128xi32, #tpu.memory_space<hbm>>
      tpu.wait_dma2 semaphore(%run_scoped3A : memref<!tpu.dma_semaphore, #tpu.memory_space<semaphore_mem>>) src(%dma_wait3A_26 : memref<79x128xi32, #tpu.memory_space<hbm>>) dst(%arg9 : memref<79x128xi32, #tpu.memory_space<vmem>>)
      tpu.yield
    }) : () -> ()
    "tpu.region"() ({
      %run_scoped3A = tpu.sem_alloc : memref<!tpu.dma_semaphore, #tpu.memory_space<semaphore_mem>>
      %dma_start3A = arith.constant 0 : i32
      %dma_start3A_13 = arith.constant 0 : i32
      %dma_start3A_14 = tpu.memref_slice %arg5[%add3A, %dma_start3A, %dma_start3A_13] : memref<32x79x128xf32, #tpu.memory_space<hbm>> -> memref<1x79x128xf32, #tpu.memory_space<hbm>>
      %dma_start3A_15 = tpu.memref_squeeze %dma_start3A_14 : memref<1x79x128xf32, #tpu.memory_space<hbm>> -> memref<79x128xf32, #tpu.memory_space<hbm>>
      %dma_start3A_16 = arith.constant 0 : i32
      %dma_start3A_17 = arith.constant 0 : i32
      %dma_start3A_18 = tpu.memref_slice %arg5[%add3A, %dma_start3A_16, %dma_start3A_17] : memref<32x79x128xf32, #tpu.memory_space<hbm>> -> memref<1x79x128xf32, #tpu.memory_space<hbm>>
      %dma_start3A_19 = tpu.memref_squeeze %dma_start3A_18 : memref<1x79x128xf32, #tpu.memory_space<hbm>> -> memref<79x128xf32, #tpu.memory_space<hbm>>
      tpu.enqueue_dma source(%dma_start3A_19 : memref<79x128xf32, #tpu.memory_space<hbm>>) target(%arg10 : memref<79x128xf32, #tpu.memory_space<vmem>>) target_semaphore(%run_scoped3A : memref<!tpu.dma_semaphore, #tpu.memory_space<semaphore_mem>>)
      %dma_wait3A = arith.constant 0 : i32
      %dma_wait3A_20 = arith.constant 0 : i32
      %dma_wait3A_21 = tpu.memref_slice %arg5[%add3A, %dma_wait3A, %dma_wait3A_20] : memref<32x79x128xf32, #tpu.memory_space<hbm>> -> memref<1x79x128xf32, #tpu.memory_space<hbm>>
      %dma_wait3A_22 = tpu.memref_squeeze %dma_wait3A_21 : memref<1x79x128xf32, #tpu.memory_space<hbm>> -> memref<79x128xf32, #tpu.memory_space<hbm>>
      %dma_wait3A_23 = arith.constant 0 : i32
      %dma_wait3A_24 = arith.constant 0 : i32
      %dma_wait3A_25 = tpu.memref_slice %arg5[%add3A, %dma_wait3A_23, %dma_wait3A_24] : memref<32x79x128xf32, #tpu.memory_space<hbm>> -> memref<1x79x128xf32, #tpu.memory_space<hbm>>
      %dma_wait3A_26 = tpu.memref_squeeze %dma_wait3A_25 : memref<1x79x128xf32, #tpu.memory_space<hbm>> -> memref<79x128xf32, #tpu.memory_space<hbm>>
      tpu.wait_dma2 semaphore(%run_scoped3A : memref<!tpu.dma_semaphore, #tpu.memory_space<semaphore_mem>>) src(%dma_wait3A_26 : memref<79x128xf32, #tpu.memory_space<hbm>>) dst(%arg10 : memref<79x128xf32, #tpu.memory_space<vmem>>)
      tpu.yield
    }) : () -> ()
    %barrier3A = arith.constant 0 : index
    tpu.barrier barrier_id(%barrier3A)
    %scan3A = arith.constant 0 : i32
    %scan3A_3 = arith.constant 0 : i32
    %scan3A_4 = arith.constant 79 : i32
    %scan3A_5 = arith.addi %scan3A_3, %scan3A_4 : i32
    %scan3A_6 = arith.constant 1 : i32
    scf.for %scan3A_13 = %scan3A_3 to %scan3A_5 step %scan3A_6  : i32 {
      %dma_start3A = arith.constant 0 : i32
      %dma_start3A_14 = tpu.memref_slice %arg8[%scan3A_13, %dma_start3A] : memref<79x128xi32, #tpu.memory_space<vmem>> -> memref<1x128xi32, #tpu.memory_space<vmem>>
      %dma_start3A_15 = tpu.memref_squeeze %dma_start3A_14 : memref<1x128xi32, #tpu.memory_space<vmem>> -> memref<128xi32, #tpu.memory_space<vmem>>
      %dma_start3A_16 = arith.constant 0 : i32
      %dma_start3A_17 = arith.constant 0 : i32
      %dma_start3A_18 = tpu.memref_slice %arg2[%dma_start3A_16, %dma_start3A_17] : memref<10000x128xf32, #tpu.memory_space<hbm>> -> memref<10000x128xf32, #tpu.memory_space<hbm>>
      tpu.enqueue_indirect_dma source(%dma_start3A_18 : memref<10000x128xf32, #tpu.memory_space<hbm>>) target(%arg11 : memref<128x128xf32, #tpu.memory_space<vmem>>) offsets(%dma_start3A_15 : memref<128xi32, #tpu.memory_space<vmem>>) semaphore(%arg13 : memref<!tpu.dma_semaphore, #tpu.memory_space<semaphore_mem>>)
      %dma_wait3A = arith.constant 0 : i32
      %dma_wait3A_19 = tpu.memref_slice %arg8[%scan3A_13, %dma_wait3A] : memref<79x128xi32, #tpu.memory_space<vmem>> -> memref<1x128xi32, #tpu.memory_space<vmem>>
      %dma_wait3A_20 = tpu.memref_squeeze %dma_wait3A_19 : memref<1x128xi32, #tpu.memory_space<vmem>> -> memref<128xi32, #tpu.memory_space<vmem>>
      %dma_wait3A_21 = arith.constant 0 : i32
      %dma_wait3A_22 = arith.constant 0 : i32
      %dma_wait3A_23 = tpu.memref_slice %arg2[%dma_wait3A_21, %dma_wait3A_22] : memref<10000x128xf32, #tpu.memory_space<hbm>> -> memref<10000x128xf32, #tpu.memory_space<hbm>>
      tpu.wait_indirect_dma semaphore(%arg13 : memref<!tpu.dma_semaphore, #tpu.memory_space<semaphore_mem>>) src(%dma_wait3A_23 : memref<10000x128xf32, #tpu.memory_space<hbm>>) dst(%arg11 : memref<128x128xf32, #tpu.memory_space<vmem>>)
      %scan3A_24 = arith.constant 0 : i32
      %scan3A_25 = arith.constant 0 : i32
      %scan3A_26 = arith.constant 8 : i32
      %scan3A_27 = arith.addi %scan3A_25, %scan3A_26 : i32
      %scan3A_28 = arith.constant 1 : i32
      scf.for %scan3A_30 = %scan3A_25 to %scan3A_27 step %scan3A_28  : i32 {
        %mul3A_31 = arith.constant 16 : i32
        %mul3A_32 = arith.muli %scan3A_30, %mul3A_31 : i32
        %get3A = arith.index_cast %scan3A_13 : i32 to index
        %get3A_33 = arith.index_cast %mul3A_32 : i32 to index
        %get3A_34 = tpu.vector_load %arg10[%get3A, %get3A_33] {strides = array<i32>} : memref<79x128xf32, #tpu.memory_space<vmem>>, vector<1x16xf32>,
        %get3A_35 = vector.shape_cast %get3A_34 : vector<1x16xf32> to vector<16xf32>
        %mul3A_36 = arith.constant 16 : i32
        %mul3A_37 = arith.muli %scan3A_30, %mul3A_36 : i32
        %add3A_38 = arith.constant 0 : i32
        %add3A_39 = arith.addi %mul3A_37, %add3A_38 : i32
        %slice3A = vector.extract_strided_slice %get3A_35 {offsets = [0], sizes = [1], strides = [1]} : vector<16xf32> to vector<1xf32>
        %squeeze3A = vector.extract %slice3A[0] : f32 from vector<1xf32>
        %broadcast_in_dim3A = vector.broadcast %squeeze3A : f32 to vector<16xf32>
        %get3A_40 = arith.index_cast %add3A_39 : i32 to index
        %get3A_41 = arith.constant 0 : index
        %get3A_42 = tpu.vector_load %arg11[%get3A_40, %get3A_41] {strides = array<i32>} : memref<128x128xf32, #tpu.memory_space<vmem>>, vector<1x16xf32>,
        %get3A_43 = vector.shape_cast %get3A_42 : vector<1x16xf32> to vector<16xf32>
        %mul3A_44 = arith.mulf %get3A_43, %broadcast_in_dim3A : vector<16xf32>
        %swap3A = arith.index_cast %add3A_39 : i32 to index
        %swap3A_45 = arith.constant 0 : index
        %swap3A_46 = tpu.vector_load %arg11[%swap3A, %swap3A_45] {strides = array<i32>} : memref<128x128xf32, #tpu.memory_space<vmem>>, vector<1x16xf32>,
        %swap3A_47 = vector.shape_cast %swap3A_46 : vector<1x16xf32> to vector<16xf32>
        %swap3A_48 = vector.shape_cast %mul3A_44 : vector<16xf32> to vector<1x16xf32>
        tpu.vector_store %arg11[%swap3A, %swap3A_45], %swap3A_48 {strides = array<i32>} : memref<128x128xf32, #tpu.memory_space<vmem>>, vector<1x16xf32>,
        %get3A_49 = arith.index_cast %add3A_39 : i32 to index
        %get3A_50 = arith.constant 16 : index
        %get3A_51 = tpu.vector_load %arg11[%get3A_49, %get3A_50] {strides = array<i32>} : memref<128x128xf32, #tpu.memory_space<vmem>>, vector<1x16xf32>,
        %get3A_52 = vector.shape_cast %get3A_51 : vector<1x16xf32> to vector<16xf32>
        %mul3A_53 = arith.mulf %get3A_52, %broadcast_in_dim3A : vector<16xf32>
        %swap3A_54 = arith.index_cast %add3A_39 : i32 to index
        %swap3A_55 = arith.constant 16 : index
        %swap3A_56 = tpu.vector_load %arg11[%swap3A_54, %swap3A_55] {strides = array<i32>} : memref<128x128xf32, #tpu.memory_space<vmem>>, vector<1x16xf32>,
        %swap3A_57 = vector.shape_cast %swap3A_56 : vector<1x16xf32> to vector<16xf32>
        %swap3A_58 = vector.shape_cast %mul3A_53 : vector<16xf32> to vector<1x16xf32>
        tpu.vector_store %arg11[%swap3A_54, %swap3A_55], %swap3A_58 {strides = array<i32>} : memref<128x128xf32, #tpu.memory_space<vmem>>, vector<1x16xf32>,
        %get3A_59 = arith.index_cast %add3A_39 : i32 to index
        %get3A_60 = arith.constant 32 : index
        %get3A_61 = tpu.vector_load %arg11[%get3A_59, %get3A_60] {strides = array<i32>} : memref<128x128xf32, #tpu.memory_space<vmem>>, vector<1x16xf32>,
        %get3A_62 = vector.shape_cast %get3A_61 : vector<1x16xf32> to vector<16xf32>
        %mul3A_63 = arith.mulf %get3A_62, %broadcast_in_dim3A : vector<16xf32>
        %swap3A_64 = arith.index_cast %add3A_39 : i32 to index
        %swap3A_65 = arith.constant 32 : index
        %swap3A_66 = tpu.vector_load %arg11[%swap3A_64, %swap3A_65] {strides = array<i32>} : memref<128x128xf32, #tpu.memory_space<vmem>>, vector<1x16xf32>,
        %swap3A_67 = vector.shape_cast %swap3A_66 : vector<1x16xf32> to vector<16xf32>
        %swap3A_68 = vector.shape_cast %mul3A_63 : vector<16xf32> to vector<1x16xf32>
        tpu.vector_store %arg11[%swap3A_64, %swap3A_65], %swap3A_68 {strides = array<i32>} : memref<128x128xf32, #tpu.memory_space<vmem>>, vector<1x16xf32>,
        %get3A_69 = arith.index_cast %add3A_39 : i32 to index
        %get3A_70 = arith.constant 48 : index
        %get3A_71 = tpu.vector_load %arg11[%get3A_69, %get3A_70] {strides = array<i32>} : memref<128x128xf32, #tpu.memory_space<vmem>>, vector<1x16xf32>,
        %get3A_72 = vector.shape_cast %get3A_71 : vector<1x16xf32> to vector<16xf32>
        %mul3A_73 = arith.mulf %get3A_72, %broadcast_in_dim3A : vector<16xf32>
        %swap3A_74 = arith.index_cast %add3A_39 : i32 to index
        %swap3A_75 = arith.constant 48 : index
        %swap3A_76 = tpu.vector_load %arg11[%swap3A_74, %swap3A_75] {strides = array<i32>} : memref<128x128xf32, #tpu.memory_space<vmem>>, vector<1x16xf32>,
        %swap3A_77 = vector.shape_cast %swap3A_76 : vector<1x16xf32> to vector<16xf32>
        %swap3A_78 = vector.shape_cast %mul3A_73 : vector<16xf32> to vector<1x16xf32>
        tpu.vector_store %arg11[%swap3A_74, %swap3A_75], %swap3A_78 {strides = array<i32>} : memref<128x128xf32, #tpu.memory_space<vmem>>, vector<1x16xf32>,
        %get3A_79 = arith.index_cast %add3A_39 : i32 to index
        %get3A_80 = arith.constant 64 : index
        %get3A_81 = tpu.vector_load %arg11[%get3A_79, %get3A_80] {strides = array<i32>} : memref<128x128xf32, #tpu.memory_space<vmem>>, vector<1x16xf32>,
        %get3A_82 = vector.shape_cast %get3A_81 : vector<1x16xf32> to vector<16xf32>
        %mul3A_83 = arith.mulf %get3A_82, %broadcast_in_dim3A : vector<16xf32>
        %swap3A_84 = arith.index_cast %add3A_39 : i32 to index
        %swap3A_85 = arith.constant 64 : index
        %swap3A_86 = tpu.vector_load %arg11[%swap3A_84, %swap3A_85] {strides = array<i32>} : memref<128x128xf32, #tpu.memory_space<vmem>>, vector<1x16xf32>,
        %swap3A_87 = vector.shape_cast %swap3A_86 : vector<1x16xf32> to vector<16xf32>
        %swap3A_88 = vector.shape_cast %mul3A_83 : vector<16xf32> to vector<1x16xf32>
        tpu.vector_store %arg11[%swap3A_84, %swap3A_85], %swap3A_88 {strides = array<i32>} : memref<128x128xf32, #tpu.memory_space<vmem>>, vector<1x16xf32>,
        %get3A_89 = arith.index_cast %add3A_39 : i32 to index
        %get3A_90 = arith.constant 80 : index
        %get3A_91 = tpu.vector_load %arg11[%get3A_89, %get3A_90] {strides = array<i32>} : memref<128x128xf32, #tpu.memory_space<vmem>>, vector<1x16xf32>,
        %get3A_92 = vector.shape_cast %get3A_91 : vector<1x16xf32> to vector<16xf32>
        %mul3A_93 = arith.mulf %get3A_92, %broadcast_in_dim3A : vector<16xf32>
        %swap3A_94 = arith.index_cast %add3A_39 : i32 to index
        %swap3A_95 = arith.constant 80 : index
        %swap3A_96 = tpu.vector_load %arg11[%swap3A_94, %swap3A_95] {strides = array<i32>} : memref<128x128xf32, #tpu.memory_space<vmem>>, vector<1x16xf32>,
        %swap3A_97 = vector.shape_cast %swap3A_96 : vector<1x16xf32> to vector<16xf32>
        %swap3A_98 = vector.shape_cast %mul3A_93 : vector<16xf32> to vector<1x16xf32>
        tpu.vector_store %arg11[%swap3A_94, %swap3A_95], %swap3A_98 {strides = array<i32>} : memref<128x128xf32, #tpu.memory_space<vmem>>, vector<1x16xf32>,
        %get3A_99 = arith.index_cast %add3A_39 : i32 to index
        %get3A_100 = arith.constant 96 : index
        %get3A_101 = tpu.vector_load %arg11[%get3A_99, %get3A_100] {strides = array<i32>} : memref<128x128xf32, #tpu.memory_space<vmem>>, vector<1x16xf32>,
        %get3A_102 = vector.shape_cast %get3A_101 : vector<1x16xf32> to vector<16xf32>
        %mul3A_103 = arith.mulf %get3A_102, %broadcast_in_dim3A : vector<16xf32>
        %swap3A_104 = arith.index_cast %add3A_39 : i32 to index
        %swap3A_105 = arith.constant 96 : index
        %swap3A_106 = tpu.vector_load %arg11[%swap3A_104, %swap3A_105] {strides = array<i32>} : memref<128x128xf32, #tpu.memory_space<vmem>>, vector<1x16xf32>,
        %swap3A_107 = vector.shape_cast %swap3A_106 : vector<1x16xf32> to vector<16xf32>
        %swap3A_108 = vector.shape_cast %mul3A_103 : vector<16xf32> to vector<1x16xf32>
        tpu.vector_store %arg11[%swap3A_104, %swap3A_105], %swap3A_108 {strides = array<i32>} : memref<128x128xf32, #tpu.memory_space<vmem>>, vector<1x16xf32>,
        %get3A_109 = arith.index_cast %add3A_39 : i32 to index
        %get3A_110 = arith.constant 112 : index
        %get3A_111 = tpu.vector_load %arg11[%get3A_109, %get3A_110] {strides = array<i32>} : memref<128x128xf32, #tpu.memory_space<vmem>>, vector<1x16xf32>,
        %get3A_112 = vector.shape_cast %get3A_111 : vector<1x16xf32> to vector<16xf32>
        %mul3A_113 = arith.mulf %get3A_112, %broadcast_in_dim3A : vector<16xf32>
        %swap3A_114 = arith.index_cast %add3A_39 : i32 to index
        %swap3A_115 = arith.constant 112 : index
        %swap3A_116 = tpu.vector_load %arg11[%swap3A_114, %swap3A_115] {strides = array<i32>} : memref<128x128xf32, #tpu.memory_space<vmem>>, vector<1x16xf32>,
        %swap3A_117 = vector.shape_cast %swap3A_116 : vector<1x16xf32> to vector<16xf32>
        %swap3A_118 = vector.shape_cast %mul3A_113 : vector<16xf32> to vector<1x16xf32>
        tpu.vector_store %arg11[%swap3A_114, %swap3A_115], %swap3A_118 {strides = array<i32>} : memref<128x128xf32, #tpu.memory_space<vmem>>, vector<1x16xf32>,
        %mul3A_119 = arith.constant 16 : i32
        %mul3A_120 = arith.muli %scan3A_30, %mul3A_119 : i32
        %add3A_121 = arith.constant 1 : i32
        %add3A_122 = arith.addi %mul3A_120, %add3A_121 : i32
        %slice3A_123 = vector.extract_strided_slice %get3A_35 {offsets = [1], sizes = [1], strides = [1]} : vector<16xf32> to vector<1xf32>
        %squeeze3A_124 = vector.extract %slice3A_123[0] : f32 from vector<1xf32>
        %broadcast_in_dim3A_125 = vector.broadcast %squeeze3A_124 : f32 to vector<16xf32>
        %get3A_126 = arith.index_cast %add3A_122 : i32 to index
        %get3A_127 = arith.constant 0 : index
        %get3A_128 = tpu.vector_load %arg11[%get3A_126, %get3A_127] {strides = array<i32>} : memref<128x128xf32, #tpu.memory_space<vmem>>, vector<1x16xf32>,
        %get3A_129 = vector.shape_cast %get3A_128 : vector<1x16xf32> to vector<16xf32>
        %mul3A_130 = arith.mulf %get3A_129, %broadcast_in_dim3A_125 : vector<16xf32>
        %swap3A_131 = arith.index_cast %add3A_122 : i32 to index
        %swap3A_132 = arith.constant 0 : index
        %swap3A_133 = tpu.vector_load %arg11[%swap3A_131, %swap3A_132] {strides = array<i32>} : memref<128x128xf32, #tpu.memory_space<vmem>>, vector<1x16xf32>,
        %swap3A_134 = vector.shape_cast %swap3A_133 : vector<1x16xf32> to vector<16xf32>
        %swap3A_135 = vector.shape_cast %mul3A_130 : vector<16xf32> to vector<1x16xf32>
        tpu.vector_store %arg11[%swap3A_131, %swap3A_132], %swap3A_135 {strides = array<i32>} : memref<128x128xf32, #tpu.memory_space<vmem>>, vector<1x16xf32>,
        %get3A_136 = arith.index_cast %add3A_122 : i32 to index
        %get3A_137 = arith.constant 16 : index
        %get3A_138 = tpu.vector_load %arg11[%get3A_136, %get3A_137] {strides = array<i32>} : memref<128x128xf32, #tpu.memory_space<vmem>>, vector<1x16xf32>,
        %get3A_139 = vector.shape_cast %get3A_138 : vector<1x16xf32> to vector<16xf32>
        %mul3A_140 = arith.mulf %get3A_139, %broadcast_in_dim3A_125 : vector<16xf32>
        %swap3A_141 = arith.index_cast %add3A_122 : i32 to index
        %swap3A_142 = arith.constant 16 : index
        %swap3A_143 = tpu.vector_load %arg11[%swap3A_141, %swap3A_142] {strides = array<i32>} : memref<128x128xf32, #tpu.memory_space<vmem>>, vector<1x16xf32>,
        %swap3A_144 = vector.shape_cast %swap3A_143 : vector<1x16xf32> to vector<16xf32>
        %swap3A_145 = vector.shape_cast %mul3A_140 : vector<16xf32> to vector<1x16xf32>
        tpu.vector_store %arg11[%swap3A_141, %swap3A_142], %swap3A_145 {strides = array<i32>} : memref<128x128xf32, #tpu.memory_space<vmem>>, vector<1x16xf32>,
        %get3A_146 = arith.index_cast %add3A_122 : i32 to index
        %get3A_147 = arith.constant 32 : index
        %get3A_148 = tpu.vector_load %arg11[%get3A_146, %get3A_147] {strides = array<i32>} : memref<128x128xf32, #tpu.memory_space<vmem>>, vector<1x16xf32>,
        %get3A_149 = vector.shape_cast %get3A_148 : vector<1x16xf32> to vector<16xf32>
        %mul3A_150 = arith.mulf %get3A_149, %broadcast_in_dim3A_125 : vector<16xf32>
        %swap3A_151 = arith.index_cast %add3A_122 : i32 to index
        %swap3A_152 = arith.constant 32 : index
        %swap3A_153 = tpu.vector_load %arg11[%swap3A_151, %swap3A_152] {strides = array<i32>} : memref<128x128xf32, #tpu.memory_space<vmem>>, vector<1x16xf32>,
        %swap3A_154 = vector.shape_cast %swap3A_153 : vector<1x16xf32> to vector<16xf32>
        %swap3A_155 = vector.shape_cast %mul3A_150 : vector<16xf32> to vector<1x16xf32>
        tpu.vector_store %arg11[%swap3A_151, %swap3A_152], %swap3A_155 {strides = array<i32>} : memref<128x128xf32, #tpu.memory_space<vmem>>, vector<1x16xf32>,
        %get3A_156 = arith.index_cast %add3A_122 : i32 to index
        %get3A_157 = arith.constant 48 : index
        %get3A_158 = tpu.vector_load %arg11[%get3A_156, %get3A_157] {strides = array<i32>} : memref<128x128xf32, #tpu.memory_space<vmem>>, vector<1x16xf32>,
        %get3A_159 = vector.shape_cast %get3A_158 : vector<1x16xf32> to vector<16xf32>
        %mul3A_160 = arith.mulf %get3A_159, %broadcast_in_dim3A_125 : vector<16xf32>
        %swap3A_161 = arith.index_cast %add3A_122 : i32 to index
        %swap3A_162 = arith.constant 48 : index
        %swap3A_163 = tpu.vector_load %arg11[%swap3A_161, %swap3A_162] {strides = array<i32>} : memref<128x128xf32, #tpu.memory_space<vmem>>, vector<1x16xf32>,
        %swap3A_164 = vector.shape_cast %swap3A_163 : vector<1x16xf32> to vector<16xf32>
        %swap3A_165 = vector.shape_cast %mul3A_160 : vector<16xf32> to vector<1x16xf32>
        tpu.vector_store %arg11[%swap3A_161, %swap3A_162], %swap3A_165 {strides = array<i32>} : memref<128x128xf32, #tpu.memory_space<vmem>>, vector<1x16xf32>,
        %get3A_166 = arith.index_cast %add3A_122 : i32 to index
        %get3A_167 = arith.constant 64 : index
        %get3A_168 = tpu.vector_load %arg11[%get3A_166, %get3A_167] {strides = array<i32>} : memref<128x128xf32, #tpu.memory_space<vmem>>, vector<1x16xf32>,
        %get3A_169 = vector.shape_cast %get3A_168 : vector<1x16xf32> to vector<16xf32>
        %mul3A_170 = arith.mulf %get3A_169, %broadcast_in_dim3A_125 : vector<16xf32>
        %swap3A_171 = arith.index_cast %add3A_122 : i32 to index
        %swap3A_172 = arith.constant 64 : index
        %swap3A_173 = tpu.vector_load %arg11[%swap3A_171, %swap3A_172] {strides = array<i32>} : memref<128x128xf32, #tpu.memory_space<vmem>>, vector<1x16xf32>,
        %swap3A_174 = vector.shape_cast %swap3A_173 : vector<1x16xf32> to vector<16xf32>
        %swap3A_175 = vector.shape_cast %mul3A_170 : vector<16xf32> to vector<1x16xf32>
        tpu.vector_store %arg11[%swap3A_171, %swap3A_172], %swap3A_175 {strides = array<i32>} : memref<128x128xf32, #tpu.memory_space<vmem>>, vector<1x16xf32>,
        %get3A_176 = arith.index_cast %add3A_122 : i32 to index
        %get3A_177 = arith.constant 80 : index
        %get3A_178 = tpu.vector_load %arg11[%get3A_176, %get3A_177] {strides = array<i32>} : memref<128x128xf32, #tpu.memory_space<vmem>>, vector<1x16xf32>,
        %get3A_179 = vector.shape_cast %get3A_178 : vector<1x16xf32> to vector<16xf32>
        %mul3A_180 = arith.mulf %get3A_179, %broadcast_in_dim3A_125 : vector<16xf32>
        %swap3A_181 = arith.index_cast %add3A_122 : i32 to index
        %swap3A_182 = arith.constant 80 : index
        %swap3A_183 = tpu.vector_load %arg11[%swap3A_181, %swap3A_182] {strides = array<i32>} : memref<128x128xf32, #tpu.memory_space<vmem>>, vector<1x16xf32>,
        %swap3A_184 = vector.shape_cast %swap3A_183 : vector<1x16xf32> to vector<16xf32>
        %swap3A_185 = vector.shape_cast %mul3A_180 : vector<16xf32> to vector<1x16xf32>
        tpu.vector_store %arg11[%swap3A_181, %swap3A_182], %swap3A_185 {strides = array<i32>} : memref<128x128xf32, #tpu.memory_space<vmem>>, vector<1x16xf32>,
        %get3A_186 = arith.index_cast %add3A_122 : i32 to index
        %get3A_187 = arith.constant 96 : index
        %get3A_188 = tpu.vector_load %arg11[%get3A_186, %get3A_187] {strides = array<i32>} : memref<128x128xf32, #tpu.memory_space<vmem>>, vector<1x16xf32>,
        %get3A_189 = vector.shape_cast %get3A_188 : vector<1x16xf32> to vector<16xf32>
        %mul3A_190 = arith.mulf %get3A_189, %broadcast_in_dim3A_125 : vector<16xf32>
        %swap3A_191 = arith.index_cast %add3A_122 : i32 to index
        %swap3A_192 = arith.constant 96 : index
        %swap3A_193 = tpu.vector_load %arg11[%swap3A_191, %swap3A_192] {strides = array<i32>} : memref<128x128xf32, #tpu.memory_space<vmem>>, vector<1x16xf32>,
        %swap3A_194 = vector.shape_cast %swap3A_193 : vector<1x16xf32> to vector<16xf32>
        %swap3A_195 = vector.shape_cast %mul3A_190 : vector<16xf32> to vector<1x16xf32>
        tpu.vector_store %arg11[%swap3A_191, %swap3A_192], %swap3A_195 {strides = array<i32>} : memref<128x128xf32, #tpu.memory_space<vmem>>, vector<1x16xf32>,
        %get3A_196 = arith.index_cast %add3A_122 : i32 to index
        %get3A_197 = arith.constant 112 : index
        %get3A_198 = tpu.vector_load %arg11[%get3A_196, %get3A_197] {strides = array<i32>} : memref<128x128xf32, #tpu.memory_space<vmem>>, vector<1x16xf32>,
        %get3A_199 = vector.shape_cast %get3A_198 : vector<1x16xf32> to vector<16xf32>
        %mul3A_200 = arith.mulf %get3A_199, %broadcast_in_dim3A_125 : vector<16xf32>
        %swap3A_201 = arith.index_cast %add3A_122 : i32 to index
        %swap3A_202 = arith.constant 112 : index
        %swap3A_203 = tpu.vector_load %arg11[%swap3A_201, %swap3A_202] {strides = array<i32>} : memref<128x128xf32, #tpu.memory_space<vmem>>, vector<1x16xf32>,
        %swap3A_204 = vector.shape_cast %swap3A_203 : vector<1x16xf32> to vector<16xf32>
        %swap3A_205 = vector.shape_cast %mul3A_200 : vector<16xf32> to vector<1x16xf32>
        tpu.vector_store %arg11[%swap3A_201, %swap3A_202], %swap3A_205 {strides = array<i32>} : memref<128x128xf32, #tpu.memory_space<vmem>>, vector<1x16xf32>,
        %mul3A_206 = arith.constant 16 : i32
        %mul3A_207 = arith.muli %scan3A_30, %mul3A_206 : i32
        %add3A_208 = arith.constant 2 : i32
        %add3A_209 = arith.addi %mul3A_207, %add3A_208 : i32
        %slice3A_210 = vector.extract_strided_slice %get3A_35 {offsets = [2], sizes = [1], strides = [1]} : vector<16xf32> to vector<1xf32>
        %squeeze3A_211 = vector.extract %slice3A_210[0] : f32 from vector<1xf32>
        %broadcast_in_dim3A_212 = vector.broadcast %squeeze3A_211 : f32 to vector<16xf32>
        %get3A_213 = arith.index_cast %add3A_209 : i32 to index
        %get3A_214 = arith.constant 0 : index
        %get3A_215 = tpu.vector_load %arg11[%get3A_213, %get3A_214] {strides = array<i32>} : memref<128x128xf32, #tpu.memory_space<vmem>>, vector<1x16xf32>,
        %get3A_216 = vector.shape_cast %get3A_215 : vector<1x16xf32> to vector<16xf32>
        %mul3A_217 = arith.mulf %get3A_216, %broadcast_in_dim3A_212 : vector<16xf32>
        %swap3A_218 = arith.index_cast %add3A_209 : i32 to index
        %swap3A_219 = arith.constant 0 : index
        %swap3A_220 = tpu.vector_load %arg11[%swap3A_218, %swap3A_219] {strides = array<i32>} : memref<128x128xf32, #tpu.memory_space<vmem>>, vector<1x16xf32>,
        %swap3A_221 = vector.shape_cast %swap3A_220 : vector<1x16xf32> to vector<16xf32>
        %swap3A_222 = vector.shape_cast %mul3A_217 : vector<16xf32> to vector<1x16xf32>
        tpu.vector_store %arg11[%swap3A_218, %swap3A_219], %swap3A_222 {strides = array<i32>} : memref<128x128xf32, #tpu.memory_space<vmem>>, vector<1x16xf32>,
        %get3A_223 = arith.index_cast %add3A_209 : i32 to index
        %get3A_224 = arith.constant 16 : index
        %get3A_225 = tpu.vector_load %arg11[%get3A_223, %get3A_224] {strides = array<i32>} : memref<128x128xf32, #tpu.memory_space<vmem>>, vector<1x16xf32>,
        %get3A_226 = vector.shape_cast %get3A_225 : vector<1x16xf32> to vector<16xf32>
        %mul3A_227 = arith.mulf %get3A_226, %broadcast_in_dim3A_212 : vector<16xf32>
        %swap3A_228 = arith.index_cast %add3A_209 : i32 to index
        %swap3A_229 = arith.constant 16 : index
        %swap3A_230 = tpu.vector_load %arg11[%swap3A_228, %swap3A_229] {strides = array<i32>} : memref<128x128xf32, #tpu.memory_space<vmem>>, vector<1x16xf32>,
        %swap3A_231 = vector.shape_cast %swap3A_230 : vector<1x16xf32> to vector<16xf32>
        %swap3A_232 = vector.shape_cast %mul3A_227 : vector<16xf32> to vector<1x16xf32>
        tpu.vector_store %arg11[%swap3A_228, %swap3A_229], %swap3A_232 {strides = array<i32>} : memref<128x128xf32, #tpu.memory_space<vmem>>, vector<1x16xf32>,
        %get3A_233 = arith.index_cast %add3A_209 : i32 to index
        %get3A_234 = arith.constant 32 : index
        %get3A_235 = tpu.vector_load %arg11[%get3A_233, %get3A_234] {strides = array<i32>} : memref<128x128xf32, #tpu.memory_space<vmem>>, vector<1x16xf32>,
        %get3A_236 = vector.shape_cast %get3A_235 : vector<1x16xf32> to vector<16xf32>
        %mul3A_237 = arith.mulf %get3A_236, %broadcast_in_dim3A_212 : vector<16xf32>
        %swap3A_238 = arith.index_cast %add3A_209 : i32 to index
        %swap3A_239 = arith.constant 32 : index
        %swap3A_240 = tpu.vector_load %arg11[%swap3A_238, %swap3A_239] {strides = array<i32>} : memref<128x128xf32, #tpu.memory_space<vmem>>, vector<1x16xf32>,
        %swap3A_241 = vector.shape_cast %swap3A_240 : vector<1x16xf32> to vector<16xf32>
        %swap3A_242 = vector.shape_cast %mul3A_237 : vector<16xf32> to vector<1x16xf32>
        tpu.vector_store %arg11[%swap3A_238, %swap3A_239], %swap3A_242 {strides = array<i32>} : memref<128x128xf32, #tpu.memory_space<vmem>>, vector<1x16xf32>,
        %get3A_243 = arith.index_cast %add3A_209 : i32 to index
        %get3A_244 = arith.constant 48 : index
        %get3A_245 = tpu.vector_load %arg11[%get3A_243, %get3A_244] {strides = array<i32>} : memref<128x128xf32, #tpu.memory_space<vmem>>, vector<1x16xf32>,
        %get3A_246 = vector.shape_cast %get3A_245 : vector<1x16xf32> to vector<16xf32>
        %mul3A_247 = arith.mulf %get3A_246, %broadcast_in_dim3A_212 : vector<16xf32>
        %swap3A_248 = arith.index_cast %add3A_209 : i32 to index
        %swap3A_249 = arith.constant 48 : index
        %swap3A_250 = tpu.vector_load %arg11[%swap3A_248, %swap3A_249] {strides = array<i32>} : memref<128x128xf32, #tpu.memory_space<vmem>>, vector<1x16xf32>,
        %swap3A_251 = vector.shape_cast %swap3A_250 : vector<1x16xf32> to vector<16xf32>
        %swap3A_252 = vector.shape_cast %mul3A_247 : vector<16xf32> to vector<1x16xf32>
        tpu.vector_store %arg11[%swap3A_248, %swap3A_249], %swap3A_252 {strides = array<i32>} : memref<128x128xf32, #tpu.memory_space<vmem>>, vector<1x16xf32>,
        %get3A_253 = arith.index_cast %add3A_209 : i32 to index
        %get3A_254 = arith.constant 64 : index
        %get3A_255 = tpu.vector_load %arg11[%get3A_253, %get3A_254] {strides = array<i32>} : memref<128x128xf32, #tpu.memory_space<vmem>>, vector<1x16xf32>,
        %get3A_256 = vector.shape_cast %get3A_255 : vector<1x16xf32> to vector<16xf32>
        %mul3A_257 = arith.mulf %get3A_256, %broadcast_in_dim3A_212 : vector<16xf32>
        %swap3A_258 = arith.index_cast %add3A_209 : i32 to index
        %swap3A_259 = arith.constant 64 : index
        %swap3A_260 = tpu.vector_load %arg11[%swap3A_258, %swap3A_259] {strides = array<i32>} : memref<128x128xf32, #tpu.memory_space<vmem>>, vector<1x16xf32>,
        %swap3A_261 = vector.shape_cast %swap3A_260 : vector<1x16xf32> to vector<16xf32>
        %swap3A_262 = vector.shape_cast %mul3A_257 : vector<16xf32> to vector<1x16xf32>
        tpu.vector_store %arg11[%swap3A_258, %swap3A_259], %swap3A_262 {strides = array<i32>} : memref<128x128xf32, #tpu.memory_space<vmem>>, vector<1x16xf32>,
        %get3A_263 = arith.index_cast %add3A_209 : i32 to index
        %get3A_264 = arith.constant 80 : index
        %get3A_265 = tpu.vector_load %arg11[%get3A_263, %get3A_264] {strides = array<i32>} : memref<128x128xf32, #tpu.memory_space<vmem>>, vector<1x16xf32>,
        %get3A_266 = vector.shape_cast %get3A_265 : vector<1x16xf32> to vector<16xf32>
        %mul3A_267 = arith.mulf %get3A_266, %broadcast_in_dim3A_212 : vector<16xf32>
        %swap3A_268 = arith.index_cast %add3A_209 : i32 to index
        %swap3A_269 = arith.constant 80 : index
        %swap3A_270 = tpu.vector_load %arg11[%swap3A_268, %swap3A_269] {strides = array<i32>} : memref<128x128xf32, #tpu.memory_space<vmem>>, vector<1x16xf32>,
        %swap3A_271 = vector.shape_cast %swap3A_270 : vector<1x16xf32> to vector<16xf32>
        %swap3A_272 = vector.shape_cast %mul3A_267 : vector<16xf32> to vector<1x16xf32>
        tpu.vector_store %arg11[%swap3A_268, %swap3A_269], %swap3A_272 {strides = array<i32>} : memref<128x128xf32, #tpu.memory_space<vmem>>, vector<1x16xf32>,
        %get3A_273 = arith.index_cast %add3A_209 : i32 to index
        %get3A_274 = arith.constant 96 : index
        %get3A_275 = tpu.vector_load %arg11[%get3A_273, %get3A_274] {strides = array<i32>} : memref<128x128xf32, #tpu.memory_space<vmem>>, vector<1x16xf32>,
        %get3A_276 = vector.shape_cast %get3A_275 : vector<1x16xf32> to vector<16xf32>
        %mul3A_277 = arith.mulf %get3A_276, %broadcast_in_dim3A_212 : vector<16xf32>
        %swap3A_278 = arith.index_cast %add3A_209 : i32 to index
        %swap3A_279 = arith.constant 96 : index
        %swap3A_280 = tpu.vector_load %arg11[%swap3A_278, %swap3A_279] {strides = array<i32>} : memref<128x128xf32, #tpu.memory_space<vmem>>, vector<1x16xf32>,
        %swap3A_281 = vector.shape_cast %swap3A_280 : vector<1x16xf32> to vector<16xf32>
        %swap3A_282 = vector.shape_cast %mul3A_277 : vector<16xf32> to vector<1x16xf32>
        tpu.vector_store %arg11[%swap3A_278, %swap3A_279], %swap3A_282 {strides = array<i32>} : memref<128x128xf32, #tpu.memory_space<vmem>>, vector<1x16xf32>,
        %get3A_283 = arith.index_cast %add3A_209 : i32 to index
        %get3A_284 = arith.constant 112 : index
        %get3A_285 = tpu.vector_load %arg11[%get3A_283, %get3A_284] {strides = array<i32>} : memref<128x128xf32, #tpu.memory_space<vmem>>, vector<1x16xf32>,
        %get3A_286 = vector.shape_cast %get3A_285 : vector<1x16xf32> to vector<16xf32>
        %mul3A_287 = arith.mulf %get3A_286, %broadcast_in_dim3A_212 : vector<16xf32>
        %swap3A_288 = arith.index_cast %add3A_209 : i32 to index
        %swap3A_289 = arith.constant 112 : index
        %swap3A_290 = tpu.vector_load %arg11[%swap3A_288, %swap3A_289] {strides = array<i32>} : memref<128x128xf32, #tpu.memory_space<vmem>>, vector<1x16xf32>,
        %swap3A_291 = vector.shape_cast %swap3A_290 : vector<1x16xf32> to vector<16xf32>
        %swap3A_292 = vector.shape_cast %mul3A_287 : vector<16xf32> to vector<1x16xf32>
        tpu.vector_store %arg11[%swap3A_288, %swap3A_289], %swap3A_292 {strides = array<i32>} : memref<128x128xf32, #tpu.memory_space<vmem>>, vector<1x16xf32>,
        %mul3A_293 = arith.constant 16 : i32
        %mul3A_294 = arith.muli %scan3A_30, %mul3A_293 : i32
        %add3A_295 = arith.constant 3 : i32
        %add3A_296 = arith.addi %mul3A_294, %add3A_295 : i32
        %slice3A_297 = vector.extract_strided_slice %get3A_35 {offsets = [3], sizes = [1], strides = [1]} : vector<16xf32> to vector<1xf32>
        %squeeze3A_298 = vector.extract %slice3A_297[0] : f32 from vector<1xf32>
        %broadcast_in_dim3A_299 = vector.broadcast %squeeze3A_298 : f32 to vector<16xf32>
        %get3A_300 = arith.index_cast %add3A_296 : i32 to index
        %get3A_301 = arith.constant 0 : index
        %get3A_302 = tpu.vector_load %arg11[%get3A_300, %get3A_301] {strides = array<i32>} : memref<128x128xf32, #tpu.memory_space<vmem>>, vector<1x16xf32>,
        %get3A_303 = vector.shape_cast %get3A_302 : vector<1x16xf32> to vector<16xf32>
        %mul3A_304 = arith.mulf %get3A_303, %broadcast_in_dim3A_299 : vector<16xf32>
        %swap3A_305 = arith.index_cast %add3A_296 : i32 to index
        %swap3A_306 = arith.constant 0 : index
        %swap3A_307 = tpu.vector_load %arg11[%swap3A_305, %swap3A_306] {strides = array<i32>} : memref<128x128xf32, #tpu.memory_space<vmem>>, vector<1x16xf32>,
        %swap3A_308 = vector.shape_cast %swap3A_307 : vector<1x16xf32> to vector<16xf32>
        %swap3A_309 = vector.shape_cast %mul3A_304 : vector<16xf32> to vector<1x16xf32>
        tpu.vector_store %arg11[%swap3A_305, %swap3A_306], %swap3A_309 {strides = array<i32>} : memref<128x128xf32, #tpu.memory_space<vmem>>, vector<1x16xf32>,
        %get3A_310 = arith.index_cast %add3A_296 : i32 to index
        %get3A_311 = arith.constant 16 : index
        %get3A_312 = tpu.vector_load %arg11[%get3A_310, %get3A_311] {strides = array<i32>} : memref<128x128xf32, #tpu.memory_space<vmem>>, vector<1x16xf32>,
        %get3A_313 = vector.shape_cast %get3A_312 : vector<1x16xf32> to vector<16xf32>
        %mul3A_314 = arith.mulf %get3A_313, %broadcast_in_dim3A_299 : vector<16xf32>
        %swap3A_315 = arith.index_cast %add3A_296 : i32 to index
        %swap3A_316 = arith.constant 16 : index
        %swap3A_317 = tpu.vector_load %arg11[%swap3A_315, %swap3A_316] {strides = array<i32>} : memref<128x128xf32, #tpu.memory_space<vmem>>, vector<1x16xf32>,
        %swap3A_318 = vector.shape_cast %swap3A_317 : vector<1x16xf32> to vector<16xf32>
        %swap3A_319 = vector.shape_cast %mul3A_314 : vector<16xf32> to vector<1x16xf32>
        tpu.vector_store %arg11[%swap3A_315, %swap3A_316], %swap3A_319 {strides = array<i32>} : memref<128x128xf32, #tpu.memory_space<vmem>>, vector<1x16xf32>,
        %get3A_320 = arith.index_cast %add3A_296 : i32 to index
        %get3A_321 = arith.constant 32 : index
        %get3A_322 = tpu.vector_load %arg11[%get3A_320, %get3A_321] {strides = array<i32>} : memref<128x128xf32, #tpu.memory_space<vmem>>, vector<1x16xf32>,
        %get3A_323 = vector.shape_cast %get3A_322 : vector<1x16xf32> to vector<16xf32>
        %mul3A_324 = arith.mulf %get3A_323, %broadcast_in_dim3A_299 : vector<16xf32>
        %swap3A_325 = arith.index_cast %add3A_296 : i32 to index
        %swap3A_326 = arith.constant 32 : index
        %swap3A_327 = tpu.vector_load %arg11[%swap3A_325, %swap3A_326] {strides = array<i32>} : memref<128x128xf32, #tpu.memory_space<vmem>>, vector<1x16xf32>,
        %swap3A_328 = vector.shape_cast %swap3A_327 : vector<1x16xf32> to vector<16xf32>
        %swap3A_329 = vector.shape_cast %mul3A_324 : vector<16xf32> to vector<1x16xf32>
        tpu.vector_store %arg11[%swap3A_325, %swap3A_326], %swap3A_329 {strides = array<i32>} : memref<128x128xf32, #tpu.memory_space<vmem>>, vector<1x16xf32>,
        %get3A_330 = arith.index_cast %add3A_296 : i32 to index
        %get3A_331 = arith.constant 48 : index
        %get3A_332 = tpu.vector_load %arg11[%get3A_330, %get3A_331] {strides = array<i32>} : memref<128x128xf32, #tpu.memory_space<vmem>>, vector<1x16xf32>,
        %get3A_333 = vector.shape_cast %get3A_332 : vector<1x16xf32> to vector<16xf32>
        %mul3A_334 = arith.mulf %get3A_333, %broadcast_in_dim3A_299 : vector<16xf32>
        %swap3A_335 = arith.index_cast %add3A_296 : i32 to index
        %swap3A_336 = arith.constant 48 : index
        %swap3A_337 = tpu.vector_load %arg11[%swap3A_335, %swap3A_336] {strides = array<i32>} : memref<128x128xf32, #tpu.memory_space<vmem>>, vector<1x16xf32>,
        %swap3A_338 = vector.shape_cast %swap3A_337 : vector<1x16xf32> to vector<16xf32>
        %swap3A_339 = vector.shape_cast %mul3A_334 : vector<16xf32> to vector<1x16xf32>
        tpu.vector_store %arg11[%swap3A_335, %swap3A_336], %swap3A_339 {strides = array<i32>} : memref<128x128xf32, #tpu.memory_space<vmem>>, vector<1x16xf32>,
        %get3A_340 = arith.index_cast %add3A_296 : i32 to index
        %get3A_341 = arith.constant 64 : index
        %get3A_342 = tpu.vector_load %arg11[%get3A_340, %get3A_341] {strides = array<i32>} : memref<128x128xf32, #tpu.memory_space<vmem>>, vector<1x16xf32>,
        %get3A_343 = vector.shape_cast %get3A_342 : vector<1x16xf32> to vector<16xf32>
        %mul3A_344 = arith.mulf %get3A_343, %broadcast_in_dim3A_299 : vector<16xf32>
        %swap3A_345 = arith.index_cast %add3A_296 : i32 to index
        %swap3A_346 = arith.constant 64 : index
        %swap3A_347 = tpu.vector_load %arg11[%swap3A_345, %swap3A_346] {strides = array<i32>} : memref<128x128xf32, #tpu.memory_space<vmem>>, vector<1x16xf32>,
        %swap3A_348 = vector.shape_cast %swap3A_347 : vector<1x16xf32> to vector<16xf32>
        %swap3A_349 = vector.shape_cast %mul3A_344 : vector<16xf32> to vector<1x16xf32>
        tpu.vector_store %arg11[%swap3A_345, %swap3A_346], %swap3A_349 {strides = array<i32>} : memref<128x128xf32, #tpu.memory_space<vmem>>, vector<1x16xf32>,
        %get3A_350 = arith.index_cast %add3A_296 : i32 to index
        %get3A_351 = arith.constant 80 : index
        %get3A_352 = tpu.vector_load %arg11[%get3A_350, %get3A_351] {strides = array<i32>} : memref<128x128xf32, #tpu.memory_space<vmem>>, vector<1x16xf32>,
        %get3A_353 = vector.shape_cast %get3A_352 : vector<1x16xf32> to vector<16xf32>
        %mul3A_354 = arith.mulf %get3A_353, %broadcast_in_dim3A_299 : vector<16xf32>
        %swap3A_355 = arith.index_cast %add3A_296 : i32 to index
        %swap3A_356 = arith.constant 80 : index
        %swap3A_357 = tpu.vector_load %arg11[%swap3A_355, %swap3A_356] {strides = array<i32>} : memref<128x128xf32, #tpu.memory_space<vmem>>, vector<1x16xf32>,
        %swap3A_358 = vector.shape_cast %swap3A_357 : vector<1x16xf32> to vector<16xf32>
        %swap3A_359 = vector.shape_cast %mul3A_354 : vector<16xf32> to vector<1x16xf32>
        tpu.vector_store %arg11[%swap3A_355, %swap3A_356], %swap3A_359 {strides = array<i32>} : memref<128x128xf32, #tpu.memory_space<vmem>>, vector<1x16xf32>,
        %get3A_360 = arith.index_cast %add3A_296 : i32 to index
        %get3A_361 = arith.constant 96 : index
        %get3A_362 = tpu.vector_load %arg11[%get3A_360, %get3A_361] {strides = array<i32>} : memref<128x128xf32, #tpu.memory_space<vmem>>, vector<1x16xf32>,
        %get3A_363 = vector.shape_cast %get3A_362 : vector<1x16xf32> to vector<16xf32>
        %mul3A_364 = arith.mulf %get3A_363, %broadcast_in_dim3A_299 : vector<16xf32>
        %swap3A_365 = arith.index_cast %add3A_296 : i32 to index
        %swap3A_366 = arith.constant 96 : index
        %swap3A_367 = tpu.vector_load %arg11[%swap3A_365, %swap3A_366] {strides = array<i32>} : memref<128x128xf32, #tpu.memory_space<vmem>>, vector<1x16xf32>,
        %swap3A_368 = vector.shape_cast %swap3A_367 : vector<1x16xf32> to vector<16xf32>
        %swap3A_369 = vector.shape_cast %mul3A_364 : vector<16xf32> to vector<1x16xf32>
        tpu.vector_store %arg11[%swap3A_365, %swap3A_366], %swap3A_369 {strides = array<i32>} : memref<128x128xf32, #tpu.memory_space<vmem>>, vector<1x16xf32>,
        %get3A_370 = arith.index_cast %add3A_296 : i32 to index
        %get3A_371 = arith.constant 112 : index
        %get3A_372 = tpu.vector_load %arg11[%get3A_370, %get3A_371] {strides = array<i32>} : memref<128x128xf32, #tpu.memory_space<vmem>>, vector<1x16xf32>,
        %get3A_373 = vector.shape_cast %get3A_372 : vector<1x16xf32> to vector<16xf32>
        %mul3A_374 = arith.mulf %get3A_373, %broadcast_in_dim3A_299 : vector<16xf32>
        %swap3A_375 = arith.index_cast %add3A_296 : i32 to index
        %swap3A_376 = arith.constant 112 : index
        %swap3A_377 = tpu.vector_load %arg11[%swap3A_375, %swap3A_376] {strides = array<i32>} : memref<128x128xf32, #tpu.memory_space<vmem>>, vector<1x16xf32>,
        %swap3A_378 = vector.shape_cast %swap3A_377 : vector<1x16xf32> to vector<16xf32>
        %swap3A_379 = vector.shape_cast %mul3A_374 : vector<16xf32> to vector<1x16xf32>
        tpu.vector_store %arg11[%swap3A_375, %swap3A_376], %swap3A_379 {strides = array<i32>} : memref<128x128xf32, #tpu.memory_space<vmem>>, vector<1x16xf32>,
        %mul3A_380 = arith.constant 16 : i32
        %mul3A_381 = arith.muli %scan3A_30, %mul3A_380 : i32
        %add3A_382 = arith.constant 4 : i32
        %add3A_383 = arith.addi %mul3A_381, %add3A_382 : i32
        %slice3A_384 = vector.extract_strided_slice %get3A_35 {offsets = [4], sizes = [1], strides = [1]} : vector<16xf32> to vector<1xf32>
        %squeeze3A_385 = vector.extract %slice3A_384[0] : f32 from vector<1xf32>
        %broadcast_in_dim3A_386 = vector.broadcast %squeeze3A_385 : f32 to vector<16xf32>
        %get3A_387 = arith.index_cast %add3A_383 : i32 to index
        %get3A_388 = arith.constant 0 : index
        %get3A_389 = tpu.vector_load %arg11[%get3A_387, %get3A_388] {strides = array<i32>} : memref<128x128xf32, #tpu.memory_space<vmem>>, vector<1x16xf32>,
        %get3A_390 = vector.shape_cast %get3A_389 : vector<1x16xf32> to vector<16xf32>
        %mul3A_391 = arith.mulf %get3A_390, %broadcast_in_dim3A_386 : vector<16xf32>
        %swap3A_392 = arith.index_cast %add3A_383 : i32 to index
        %swap3A_393 = arith.constant 0 : index
        %swap3A_394 = tpu.vector_load %arg11[%swap3A_392, %swap3A_393] {strides = array<i32>} : memref<128x128xf32, #tpu.memory_space<vmem>>, vector<1x16xf32>,
        %swap3A_395 = vector.shape_cast %swap3A_394 : vector<1x16xf32> to vector<16xf32>
        %swap3A_396 = vector.shape_cast %mul3A_391 : vector<16xf32> to vector<1x16xf32>
        tpu.vector_store %arg11[%swap3A_392, %swap3A_393], %swap3A_396 {strides = array<i32>} : memref<128x128xf32, #tpu.memory_space<vmem>>, vector<1x16xf32>,
        %get3A_397 = arith.index_cast %add3A_383 : i32 to index
        %get3A_398 = arith.constant 16 : index
        %get3A_399 = tpu.vector_load %arg11[%get3A_397, %get3A_398] {strides = array<i32>} : memref<128x128xf32, #tpu.memory_space<vmem>>, vector<1x16xf32>,
        %get3A_400 = vector.shape_cast %get3A_399 : vector<1x16xf32> to vector<16xf32>
        %mul3A_401 = arith.mulf %get3A_400, %broadcast_in_dim3A_386 : vector<16xf32>
        %swap3A_402 = arith.index_cast %add3A_383 : i32 to index
        %swap3A_403 = arith.constant 16 : index
        %swap3A_404 = tpu.vector_load %arg11[%swap3A_402, %swap3A_403] {strides = array<i32>} : memref<128x128xf32, #tpu.memory_space<vmem>>, vector<1x16xf32>,
        %swap3A_405 = vector.shape_cast %swap3A_404 : vector<1x16xf32> to vector<16xf32>
        %swap3A_406 = vector.shape_cast %mul3A_401 : vector<16xf32> to vector<1x16xf32>
        tpu.vector_store %arg11[%swap3A_402, %swap3A_403], %swap3A_406 {strides = array<i32>} : memref<128x128xf32, #tpu.memory_space<vmem>>, vector<1x16xf32>,
        %get3A_407 = arith.index_cast %add3A_383 : i32 to index
        %get3A_408 = arith.constant 32 : index
        %get3A_409 = tpu.vector_load %arg11[%get3A_407, %get3A_408] {strides = array<i32>} : memref<128x128xf32, #tpu.memory_space<vmem>>, vector<1x16xf32>,
        %get3A_410 = vector.shape_cast %get3A_409 : vector<1x16xf32> to vector<16xf32>
        %mul3A_411 = arith.mulf %get3A_410, %broadcast_in_dim3A_386 : vector<16xf32>
        %swap3A_412 = arith.index_cast %add3A_383 : i32 to index
        %swap3A_413 = arith.constant 32 : index
        %swap3A_414 = tpu.vector_load %arg11[%swap3A_412, %swap3A_413] {strides = array<i32>} : memref<128x128xf32, #tpu.memory_space<vmem>>, vector<1x16xf32>,
        %swap3A_415 = vector.shape_cast %swap3A_414 : vector<1x16xf32> to vector<16xf32>
        %swap3A_416 = vector.shape_cast %mul3A_411 : vector<16xf32> to vector<1x16xf32>
        tpu.vector_store %arg11[%swap3A_412, %swap3A_413], %swap3A_416 {strides = array<i32>} : memref<128x128xf32, #tpu.memory_space<vmem>>, vector<1x16xf32>,
        %get3A_417 = arith.index_cast %add3A_383 : i32 to index
        %get3A_418 = arith.constant 48 : index
        %get3A_419 = tpu.vector_load %arg11[%get3A_417, %get3A_418] {strides = array<i32>} : memref<128x128xf32, #tpu.memory_space<vmem>>, vector<1x16xf32>,
        %get3A_420 = vector.shape_cast %get3A_419 : vector<1x16xf32> to vector<16xf32>
        %mul3A_421 = arith.mulf %get3A_420, %broadcast_in_dim3A_386 : vector<16xf32>
        %swap3A_422 = arith.index_cast %add3A_383 : i32 to index
        %swap3A_423 = arith.constant 48 : index
        %swap3A_424 = tpu.vector_load %arg11[%swap3A_422, %swap3A_423] {strides = array<i32>} : memref<128x128xf32, #tpu.memory_space<vmem>>, vector<1x16xf32>,
        %swap3A_425 = vector.shape_cast %swap3A_424 : vector<1x16xf32> to vector<16xf32>
        %swap3A_426 = vector.shape_cast %mul3A_421 : vector<16xf32> to vector<1x16xf32>
        tpu.vector_store %arg11[%swap3A_422, %swap3A_423], %swap3A_426 {strides = array<i32>} : memref<128x128xf32, #tpu.memory_space<vmem>>, vector<1x16xf32>,
        %get3A_427 = arith.index_cast %add3A_383 : i32 to index
        %get3A_428 = arith.constant 64 : index
        %get3A_429 = tpu.vector_load %arg11[%get3A_427, %get3A_428] {strides = array<i32>} : memref<128x128xf32, #tpu.memory_space<vmem>>, vector<1x16xf32>,
        %get3A_430 = vector.shape_cast %get3A_429 : vector<1x16xf32> to vector<16xf32>
        %mul3A_431 = arith.mulf %get3A_430, %broadcast_in_dim3A_386 : vector<16xf32>
        %swap3A_432 = arith.index_cast %add3A_383 : i32 to index
        %swap3A_433 = arith.constant 64 : index
        %swap3A_434 = tpu.vector_load %arg11[%swap3A_432, %swap3A_433] {strides = array<i32>} : memref<128x128xf32, #tpu.memory_space<vmem>>, vector<1x16xf32>,
        %swap3A_435 = vector.shape_cast %swap3A_434 : vector<1x16xf32> to vector<16xf32>
        %swap3A_436 = vector.shape_cast %mul3A_431 : vector<16xf32> to vector<1x16xf32>
        tpu.vector_store %arg11[%swap3A_432, %swap3A_433], %swap3A_436 {strides = array<i32>} : memref<128x128xf32, #tpu.memory_space<vmem>>, vector<1x16xf32>,
        %get3A_437 = arith.index_cast %add3A_383 : i32 to index
        %get3A_438 = arith.constant 80 : index
        %get3A_439 = tpu.vector_load %arg11[%get3A_437, %get3A_438] {strides = array<i32>} : memref<128x128xf32, #tpu.memory_space<vmem>>, vector<1x16xf32>,
        %get3A_440 = vector.shape_cast %get3A_439 : vector<1x16xf32> to vector<16xf32>
        %mul3A_441 = arith.mulf %get3A_440, %broadcast_in_dim3A_386 : vector<16xf32>
        %swap3A_442 = arith.index_cast %add3A_383 : i32 to index
        %swap3A_443 = arith.constant 80 : index
        %swap3A_444 = tpu.vector_load %arg11[%swap3A_442, %swap3A_443] {strides = array<i32>} : memref<128x128xf32, #tpu.memory_space<vmem>>, vector<1x16xf32>,
        %swap3A_445 = vector.shape_cast %swap3A_444 : vector<1x16xf32> to vector<16xf32>
        %swap3A_446 = vector.shape_cast %mul3A_441 : vector<16xf32> to vector<1x16xf32>
        tpu.vector_store %arg11[%swap3A_442, %swap3A_443], %swap3A_446 {strides = array<i32>} : memref<128x128xf32, #tpu.memory_space<vmem>>, vector<1x16xf32>,
        %get3A_447 = arith.index_cast %add3A_383 : i32 to index
        %get3A_448 = arith.constant 96 : index
        %get3A_449 = tpu.vector_load %arg11[%get3A_447, %get3A_448] {strides = array<i32>} : memref<128x128xf32, #tpu.memory_space<vmem>>, vector<1x16xf32>,
        %get3A_450 = vector.shape_cast %get3A_449 : vector<1x16xf32> to vector<16xf32>
        %mul3A_451 = arith.mulf %get3A_450, %broadcast_in_dim3A_386 : vector<16xf32>
        %swap3A_452 = arith.index_cast %add3A_383 : i32 to index
        %swap3A_453 = arith.constant 96 : index
        %swap3A_454 = tpu.vector_load %arg11[%swap3A_452, %swap3A_453] {strides = array<i32>} : memref<128x128xf32, #tpu.memory_space<vmem>>, vector<1x16xf32>,
        %swap3A_455 = vector.shape_cast %swap3A_454 : vector<1x16xf32> to vector<16xf32>
        %swap3A_456 = vector.shape_cast %mul3A_451 : vector<16xf32> to vector<1x16xf32>
        tpu.vector_store %arg11[%swap3A_452, %swap3A_453], %swap3A_456 {strides = array<i32>} : memref<128x128xf32, #tpu.memory_space<vmem>>, vector<1x16xf32>,
        %get3A_457 = arith.index_cast %add3A_383 : i32 to index
        %get3A_458 = arith.constant 112 : index
        %get3A_459 = tpu.vector_load %arg11[%get3A_457, %get3A_458] {strides = array<i32>} : memref<128x128xf32, #tpu.memory_space<vmem>>, vector<1x16xf32>,
        %get3A_460 = vector.shape_cast %get3A_459 : vector<1x16xf32> to vector<16xf32>
        %mul3A_461 = arith.mulf %get3A_460, %broadcast_in_dim3A_386 : vector<16xf32>
        %swap3A_462 = arith.index_cast %add3A_383 : i32 to index
        %swap3A_463 = arith.constant 112 : index
        %swap3A_464 = tpu.vector_load %arg11[%swap3A_462, %swap3A_463] {strides = array<i32>} : memref<128x128xf32, #tpu.memory_space<vmem>>, vector<1x16xf32>,
        %swap3A_465 = vector.shape_cast %swap3A_464 : vector<1x16xf32> to vector<16xf32>
        %swap3A_466 = vector.shape_cast %mul3A_461 : vector<16xf32> to vector<1x16xf32>
        tpu.vector_store %arg11[%swap3A_462, %swap3A_463], %swap3A_466 {strides = array<i32>} : memref<128x128xf32, #tpu.memory_space<vmem>>, vector<1x16xf32>,
        %mul3A_467 = arith.constant 16 : i32
        %mul3A_468 = arith.muli %scan3A_30, %mul3A_467 : i32
        %add3A_469 = arith.constant 5 : i32
        %add3A_470 = arith.addi %mul3A_468, %add3A_469 : i32
        %slice3A_471 = vector.extract_strided_slice %get3A_35 {offsets = [5], sizes = [1], strides = [1]} : vector<16xf32> to vector<1xf32>
        %squeeze3A_472 = vector.extract %slice3A_471[0] : f32 from vector<1xf32>
        %broadcast_in_dim3A_473 = vector.broadcast %squeeze3A_472 : f32 to vector<16xf32>
        %get3A_474 = arith.index_cast %add3A_470 : i32 to index
        %get3A_475 = arith.constant 0 : index
        %get3A_476 = tpu.vector_load %arg11[%get3A_474, %get3A_475] {strides = array<i32>} : memref<128x128xf32, #tpu.memory_space<vmem>>, vector<1x16xf32>,
        %get3A_477 = vector.shape_cast %get3A_476 : vector<1x16xf32> to vector<16xf32>
        %mul3A_478 = arith.mulf %get3A_477, %broadcast_in_dim3A_473 : vector<16xf32>
        %swap3A_479 = arith.index_cast %add3A_470 : i32 to index
        %swap3A_480 = arith.constant 0 : index
        %swap3A_481 = tpu.vector_load %arg11[%swap3A_479, %swap3A_480] {strides = array<i32>} : memref<128x128xf32, #tpu.memory_space<vmem>>, vector<1x16xf32>,
        %swap3A_482 = vector.shape_cast %swap3A_481 : vector<1x16xf32> to vector<16xf32>
        %swap3A_483 = vector.shape_cast %mul3A_478 : vector<16xf32> to vector<1x16xf32>
        tpu.vector_store %arg11[%swap3A_479, %swap3A_480], %swap3A_483 {strides = array<i32>} : memref<128x128xf32, #tpu.memory_space<vmem>>, vector<1x16xf32>,
        %get3A_484 = arith.index_cast %add3A_470 : i32 to index
        %get3A_485 = arith.constant 16 : index
        %get3A_486 = tpu.vector_load %arg11[%get3A_484, %get3A_485] {strides = array<i32>} : memref<128x128xf32, #tpu.memory_space<vmem>>, vector<1x16xf32>,
        %get3A_487 = vector.shape_cast %get3A_486 : vector<1x16xf32> to vector<16xf32>
        %mul3A_488 = arith.mulf %get3A_487, %broadcast_in_dim3A_473 : vector<16xf32>
        %swap3A_489 = arith.index_cast %add3A_470 : i32 to index
        %swap3A_490 = arith.constant 16 : index
        %swap3A_491 = tpu.vector_load %arg11[%swap3A_489, %swap3A_490] {strides = array<i32>} : memref<128x128xf32, #tpu.memory_space<vmem>>, vector<1x16xf32>,
        %swap3A_492 = vector.shape_cast %swap3A_491 : vector<1x16xf32> to vector<16xf32>
        %swap3A_493 = vector.shape_cast %mul3A_488 : vector<16xf32> to vector<1x16xf32>
        tpu.vector_store %arg11[%swap3A_489, %swap3A_490], %swap3A_493 {strides = array<i32>} : memref<128x128xf32, #tpu.memory_space<vmem>>, vector<1x16xf32>,
        %get3A_494 = arith.index_cast %add3A_470 : i32 to index
        %get3A_495 = arith.constant 32 : index
        %get3A_496 = tpu.vector_load %arg11[%get3A_494, %get3A_495] {strides = array<i32>} : memref<128x128xf32, #tpu.memory_space<vmem>>, vector<1x16xf32>,
        %get3A_497 = vector.shape_cast %get3A_496 : vector<1x16xf32> to vector<16xf32>
        %mul3A_498 = arith.mulf %get3A_497, %broadcast_in_dim3A_473 : vector<16xf32>
        %swap3A_499 = arith.index_cast %add3A_470 : i32 to index
        %swap3A_500 = arith.constant 32 : index
        %swap3A_501 = tpu.vector_load %arg11[%swap3A_499, %swap3A_500] {strides = array<i32>} : memref<128x128xf32, #tpu.memory_space<vmem>>, vector<1x16xf32>,
        %swap3A_502 = vector.shape_cast %swap3A_501 : vector<1x16xf32> to vector<16xf32>
        %swap3A_503 = vector.shape_cast %mul3A_498 : vector<16xf32> to vector<1x16xf32>
        tpu.vector_store %arg11[%swap3A_499, %swap3A_500], %swap3A_503 {strides = array<i32>} : memref<128x128xf32, #tpu.memory_space<vmem>>, vector<1x16xf32>,
        %get3A_504 = arith.index_cast %add3A_470 : i32 to index
        %get3A_505 = arith.constant 48 : index
        %get3A_506 = tpu.vector_load %arg11[%get3A_504, %get3A_505] {strides = array<i32>} : memref<128x128xf32, #tpu.memory_space<vmem>>, vector<1x16xf32>,
        %get3A_507 = vector.shape_cast %get3A_506 : vector<1x16xf32> to vector<16xf32>
        %mul3A_508 = arith.mulf %get3A_507, %broadcast_in_dim3A_473 : vector<16xf32>
        %swap3A_509 = arith.index_cast %add3A_470 : i32 to index
        %swap3A_510 = arith.constant 48 : index
        %swap3A_511 = tpu.vector_load %arg11[%swap3A_509, %swap3A_510] {strides = array<i32>} : memref<128x128xf32, #tpu.memory_space<vmem>>, vector<1x16xf32>,
        %swap3A_512 = vector.shape_cast %swap3A_511 : vector<1x16xf32> to vector<16xf32>
        %swap3A_513 = vector.shape_cast %mul3A_508 : vector<16xf32> to vector<1x16xf32>
        tpu.vector_store %arg11[%swap3A_509, %swap3A_510], %swap3A_513 {strides = array<i32>} : memref<128x128xf32, #tpu.memory_space<vmem>>, vector<1x16xf32>,
        %get3A_514 = arith.index_cast %add3A_470 : i32 to index
        %get3A_515 = arith.constant 64 : index
        %get3A_516 = tpu.vector_load %arg11[%get3A_514, %get3A_515] {strides = array<i32>} : memref<128x128xf32, #tpu.memory_space<vmem>>, vector<1x16xf32>,
        %get3A_517 = vector.shape_cast %get3A_516 : vector<1x16xf32> to vector<16xf32>
        %mul3A_518 = arith.mulf %get3A_517, %broadcast_in_dim3A_473 : vector<16xf32>
        %swap3A_519 = arith.index_cast %add3A_470 : i32 to index
        %swap3A_520 = arith.constant 64 : index
        %swap3A_521 = tpu.vector_load %arg11[%swap3A_519, %swap3A_520] {strides = array<i32>} : memref<128x128xf32, #tpu.memory_space<vmem>>, vector<1x16xf32>,
        %swap3A_522 = vector.shape_cast %swap3A_521 : vector<1x16xf32> to vector<16xf32>
        %swap3A_523 = vector.shape_cast %mul3A_518 : vector<16xf32> to vector<1x16xf32>
        tpu.vector_store %arg11[%swap3A_519, %swap3A_520], %swap3A_523 {strides = array<i32>} : memref<128x128xf32, #tpu.memory_space<vmem>>, vector<1x16xf32>,
        %get3A_524 = arith.index_cast %add3A_470 : i32 to index
        %get3A_525 = arith.constant 80 : index
        %get3A_526 = tpu.vector_load %arg11[%get3A_524, %get3A_525] {strides = array<i32>} : memref<128x128xf32, #tpu.memory_space<vmem>>, vector<1x16xf32>,
        %get3A_527 = vector.shape_cast %get3A_526 : vector<1x16xf32> to vector<16xf32>
        %mul3A_528 = arith.mulf %get3A_527, %broadcast_in_dim3A_473 : vector<16xf32>
        %swap3A_529 = arith.index_cast %add3A_470 : i32 to index
        %swap3A_530 = arith.constant 80 : index
        %swap3A_531 = tpu.vector_load %arg11[%swap3A_529, %swap3A_530] {strides = array<i32>} : memref<128x128xf32, #tpu.memory_space<vmem>>, vector<1x16xf32>,
        %swap3A_532 = vector.shape_cast %swap3A_531 : vector<1x16xf32> to vector<16xf32>
        %swap3A_533 = vector.shape_cast %mul3A_528 : vector<16xf32> to vector<1x16xf32>
        tpu.vector_store %arg11[%swap3A_529, %swap3A_530], %swap3A_533 {strides = array<i32>} : memref<128x128xf32, #tpu.memory_space<vmem>>, vector<1x16xf32>,
        %get3A_534 = arith.index_cast %add3A_470 : i32 to index
        %get3A_535 = arith.constant 96 : index
        %get3A_536 = tpu.vector_load %arg11[%get3A_534, %get3A_535] {strides = array<i32>} : memref<128x128xf32, #tpu.memory_space<vmem>>, vector<1x16xf32>,
        %get3A_537 = vector.shape_cast %get3A_536 : vector<1x16xf32> to vector<16xf32>
        %mul3A_538 = arith.mulf %get3A_537, %broadcast_in_dim3A_473 : vector<16xf32>
        %swap3A_539 = arith.index_cast %add3A_470 : i32 to index
        %swap3A_540 = arith.constant 96 : index
        %swap3A_541 = tpu.vector_load %arg11[%swap3A_539, %swap3A_540] {strides = array<i32>} : memref<128x128xf32, #tpu.memory_space<vmem>>, vector<1x16xf32>,
        %swap3A_542 = vector.shape_cast %swap3A_541 : vector<1x16xf32> to vector<16xf32>
        %swap3A_543 = vector.shape_cast %mul3A_538 : vector<16xf32> to vector<1x16xf32>
        tpu.vector_store %arg11[%swap3A_539, %swap3A_540], %swap3A_543 {strides = array<i32>} : memref<128x128xf32, #tpu.memory_space<vmem>>, vector<1x16xf32>,
        %get3A_544 = arith.index_cast %add3A_470 : i32 to index
        %get3A_545 = arith.constant 112 : index
        %get3A_546 = tpu.vector_load %arg11[%get3A_544, %get3A_545] {strides = array<i32>} : memref<128x128xf32, #tpu.memory_space<vmem>>, vector<1x16xf32>,
        %get3A_547 = vector.shape_cast %get3A_546 : vector<1x16xf32> to vector<16xf32>
        %mul3A_548 = arith.mulf %get3A_547, %broadcast_in_dim3A_473 : vector<16xf32>
        %swap3A_549 = arith.index_cast %add3A_470 : i32 to index
        %swap3A_550 = arith.constant 112 : index
        %swap3A_551 = tpu.vector_load %arg11[%swap3A_549, %swap3A_550] {strides = array<i32>} : memref<128x128xf32, #tpu.memory_space<vmem>>, vector<1x16xf32>,
        %swap3A_552 = vector.shape_cast %swap3A_551 : vector<1x16xf32> to vector<16xf32>
        %swap3A_553 = vector.shape_cast %mul3A_548 : vector<16xf32> to vector<1x16xf32>
        tpu.vector_store %arg11[%swap3A_549, %swap3A_550], %swap3A_553 {strides = array<i32>} : memref<128x128xf32, #tpu.memory_space<vmem>>, vector<1x16xf32>,
        %mul3A_554 = arith.constant 16 : i32
        %mul3A_555 = arith.muli %scan3A_30, %mul3A_554 : i32
        %add3A_556 = arith.constant 6 : i32
        %add3A_557 = arith.addi %mul3A_555, %add3A_556 : i32
        %slice3A_558 = vector.extract_strided_slice %get3A_35 {offsets = [6], sizes = [1], strides = [1]} : vector<16xf32> to vector<1xf32>
        %squeeze3A_559 = vector.extract %slice3A_558[0] : f32 from vector<1xf32>
        %broadcast_in_dim3A_560 = vector.broadcast %squeeze3A_559 : f32 to vector<16xf32>
        %get3A_561 = arith.index_cast %add3A_557 : i32 to index
        %get3A_562 = arith.constant 0 : index
        %get3A_563 = tpu.vector_load %arg11[%get3A_561, %get3A_562] {strides = array<i32>} : memref<128x128xf32, #tpu.memory_space<vmem>>, vector<1x16xf32>,
        %get3A_564 = vector.shape_cast %get3A_563 : vector<1x16xf32> to vector<16xf32>
        %mul3A_565 = arith.mulf %get3A_564, %broadcast_in_dim3A_560 : vector<16xf32>
        %swap3A_566 = arith.index_cast %add3A_557 : i32 to index
        %swap3A_567 = arith.constant 0 : index
        %swap3A_568 = tpu.vector_load %arg11[%swap3A_566, %swap3A_567] {strides = array<i32>} : memref<128x128xf32, #tpu.memory_space<vmem>>, vector<1x16xf32>,
        %swap3A_569 = vector.shape_cast %swap3A_568 : vector<1x16xf32> to vector<16xf32>
        %swap3A_570 = vector.shape_cast %mul3A_565 : vector<16xf32> to vector<1x16xf32>
        tpu.vector_store %arg11[%swap3A_566, %swap3A_567], %swap3A_570 {strides = array<i32>} : memref<128x128xf32, #tpu.memory_space<vmem>>, vector<1x16xf32>,
        %get3A_571 = arith.index_cast %add3A_557 : i32 to index
        %get3A_572 = arith.constant 16 : index
        %get3A_573 = tpu.vector_load %arg11[%get3A_571, %get3A_572] {strides = array<i32>} : memref<128x128xf32, #tpu.memory_space<vmem>>, vector<1x16xf32>,
        %get3A_574 = vector.shape_cast %get3A_573 : vector<1x16xf32> to vector<16xf32>
        %mul3A_575 = arith.mulf %get3A_574, %broadcast_in_dim3A_560 : vector<16xf32>
        %swap3A_576 = arith.index_cast %add3A_557 : i32 to index
        %swap3A_577 = arith.constant 16 : index
        %swap3A_578 = tpu.vector_load %arg11[%swap3A_576, %swap3A_577] {strides = array<i32>} : memref<128x128xf32, #tpu.memory_space<vmem>>, vector<1x16xf32>,
        %swap3A_579 = vector.shape_cast %swap3A_578 : vector<1x16xf32> to vector<16xf32>
        %swap3A_580 = vector.shape_cast %mul3A_575 : vector<16xf32> to vector<1x16xf32>
        tpu.vector_store %arg11[%swap3A_576, %swap3A_577], %swap3A_580 {strides = array<i32>} : memref<128x128xf32, #tpu.memory_space<vmem>>, vector<1x16xf32>,
        %get3A_581 = arith.index_cast %add3A_557 : i32 to index
        %get3A_582 = arith.constant 32 : index
        %get3A_583 = tpu.vector_load %arg11[%get3A_581, %get3A_582] {strides = array<i32>} : memref<128x128xf32, #tpu.memory_space<vmem>>, vector<1x16xf32>,
        %get3A_584 = vector.shape_cast %get3A_583 : vector<1x16xf32> to vector<16xf32>
        %mul3A_585 = arith.mulf %get3A_584, %broadcast_in_dim3A_560 : vector<16xf32>
        %swap3A_586 = arith.index_cast %add3A_557 : i32 to index
        %swap3A_587 = arith.constant 32 : index
        %swap3A_588 = tpu.vector_load %arg11[%swap3A_586, %swap3A_587] {strides = array<i32>} : memref<128x128xf32, #tpu.memory_space<vmem>>, vector<1x16xf32>,
        %swap3A_589 = vector.shape_cast %swap3A_588 : vector<1x16xf32> to vector<16xf32>
        %swap3A_590 = vector.shape_cast %mul3A_585 : vector<16xf32> to vector<1x16xf32>
        tpu.vector_store %arg11[%swap3A_586, %swap3A_587], %swap3A_590 {strides = array<i32>} : memref<128x128xf32, #tpu.memory_space<vmem>>, vector<1x16xf32>,
        %get3A_591 = arith.index_cast %add3A_557 : i32 to index
        %get3A_592 = arith.constant 48 : index
        %get3A_593 = tpu.vector_load %arg11[%get3A_591, %get3A_592] {strides = array<i32>} : memref<128x128xf32, #tpu.memory_space<vmem>>, vector<1x16xf32>,
        %get3A_594 = vector.shape_cast %get3A_593 : vector<1x16xf32> to vector<16xf32>
        %mul3A_595 = arith.mulf %get3A_594, %broadcast_in_dim3A_560 : vector<16xf32>
        %swap3A_596 = arith.index_cast %add3A_557 : i32 to index
        %swap3A_597 = arith.constant 48 : index
        %swap3A_598 = tpu.vector_load %arg11[%swap3A_596, %swap3A_597] {strides = array<i32>} : memref<128x128xf32, #tpu.memory_space<vmem>>, vector<1x16xf32>,
        %swap3A_599 = vector.shape_cast %swap3A_598 : vector<1x16xf32> to vector<16xf32>
        %swap3A_600 = vector.shape_cast %mul3A_595 : vector<16xf32> to vector<1x16xf32>
        tpu.vector_store %arg11[%swap3A_596, %swap3A_597], %swap3A_600 {strides = array<i32>} : memref<128x128xf32, #tpu.memory_space<vmem>>, vector<1x16xf32>,
        %get3A_601 = arith.index_cast %add3A_557 : i32 to index
        %get3A_602 = arith.constant 64 : index
        %get3A_603 = tpu.vector_load %arg11[%get3A_601, %get3A_602] {strides = array<i32>} : memref<128x128xf32, #tpu.memory_space<vmem>>, vector<1x16xf32>,
        %get3A_604 = vector.shape_cast %get3A_603 : vector<1x16xf32> to vector<16xf32>
        %mul3A_605 = arith.mulf %get3A_604, %broadcast_in_dim3A_560 : vector<16xf32>
        %swap3A_606 = arith.index_cast %add3A_557 : i32 to index
        %swap3A_607 = arith.constant 64 : index
        %swap3A_608 = tpu.vector_load %arg11[%swap3A_606, %swap3A_607] {strides = array<i32>} : memref<128x128xf32, #tpu.memory_space<vmem>>, vector<1x16xf32>,
        %swap3A_609 = vector.shape_cast %swap3A_608 : vector<1x16xf32> to vector<16xf32>
        %swap3A_610 = vector.shape_cast %mul3A_605 : vector<16xf32> to vector<1x16xf32>
        tpu.vector_store %arg11[%swap3A_606, %swap3A_607], %swap3A_610 {strides = array<i32>} : memref<128x128xf32, #tpu.memory_space<vmem>>, vector<1x16xf32>,
        %get3A_611 = arith.index_cast %add3A_557 : i32 to index
        %get3A_612 = arith.constant 80 : index
        %get3A_613 = tpu.vector_load %arg11[%get3A_611, %get3A_612] {strides = array<i32>} : memref<128x128xf32, #tpu.memory_space<vmem>>, vector<1x16xf32>,
        %get3A_614 = vector.shape_cast %get3A_613 : vector<1x16xf32> to vector<16xf32>
        %mul3A_615 = arith.mulf %get3A_614, %broadcast_in_dim3A_560 : vector<16xf32>
        %swap3A_616 = arith.index_cast %add3A_557 : i32 to index
        %swap3A_617 = arith.constant 80 : index
        %swap3A_618 = tpu.vector_load %arg11[%swap3A_616, %swap3A_617] {strides = array<i32>} : memref<128x128xf32, #tpu.memory_space<vmem>>, vector<1x16xf32>,
        %swap3A_619 = vector.shape_cast %swap3A_618 : vector<1x16xf32> to vector<16xf32>
        %swap3A_620 = vector.shape_cast %mul3A_615 : vector<16xf32> to vector<1x16xf32>
        tpu.vector_store %arg11[%swap3A_616, %swap3A_617], %swap3A_620 {strides = array<i32>} : memref<128x128xf32, #tpu.memory_space<vmem>>, vector<1x16xf32>,
        %get3A_621 = arith.index_cast %add3A_557 : i32 to index
        %get3A_622 = arith.constant 96 : index
        %get3A_623 = tpu.vector_load %arg11[%get3A_621, %get3A_622] {strides = array<i32>} : memref<128x128xf32, #tpu.memory_space<vmem>>, vector<1x16xf32>,
        %get3A_624 = vector.shape_cast %get3A_623 : vector<1x16xf32> to vector<16xf32>
        %mul3A_625 = arith.mulf %get3A_624, %broadcast_in_dim3A_560 : vector<16xf32>
        %swap3A_626 = arith.index_cast %add3A_557 : i32 to index
        %swap3A_627 = arith.constant 96 : index
        %swap3A_628 = tpu.vector_load %arg11[%swap3A_626, %swap3A_627] {strides = array<i32>} : memref<128x128xf32, #tpu.memory_space<vmem>>, vector<1x16xf32>,
        %swap3A_629 = vector.shape_cast %swap3A_628 : vector<1x16xf32> to vector<16xf32>
        %swap3A_630 = vector.shape_cast %mul3A_625 : vector<16xf32> to vector<1x16xf32>
        tpu.vector_store %arg11[%swap3A_626, %swap3A_627], %swap3A_630 {strides = array<i32>} : memref<128x128xf32, #tpu.memory_space<vmem>>, vector<1x16xf32>,
        %get3A_631 = arith.index_cast %add3A_557 : i32 to index
        %get3A_632 = arith.constant 112 : index
        %get3A_633 = tpu.vector_load %arg11[%get3A_631, %get3A_632] {strides = array<i32>} : memref<128x128xf32, #tpu.memory_space<vmem>>, vector<1x16xf32>,
        %get3A_634 = vector.shape_cast %get3A_633 : vector<1x16xf32> to vector<16xf32>
        %mul3A_635 = arith.mulf %get3A_634, %broadcast_in_dim3A_560 : vector<16xf32>
        %swap3A_636 = arith.index_cast %add3A_557 : i32 to index
        %swap3A_637 = arith.constant 112 : index
        %swap3A_638 = tpu.vector_load %arg11[%swap3A_636, %swap3A_637] {strides = array<i32>} : memref<128x128xf32, #tpu.memory_space<vmem>>, vector<1x16xf32>,
        %swap3A_639 = vector.shape_cast %swap3A_638 : vector<1x16xf32> to vector<16xf32>
        %swap3A_640 = vector.shape_cast %mul3A_635 : vector<16xf32> to vector<1x16xf32>
        tpu.vector_store %arg11[%swap3A_636, %swap3A_637], %swap3A_640 {strides = array<i32>} : memref<128x128xf32, #tpu.memory_space<vmem>>, vector<1x16xf32>,
        %mul3A_641 = arith.constant 16 : i32
        %mul3A_642 = arith.muli %scan3A_30, %mul3A_641 : i32
        %add3A_643 = arith.constant 7 : i32
        %add3A_644 = arith.addi %mul3A_642, %add3A_643 : i32
        %slice3A_645 = vector.extract_strided_slice %get3A_35 {offsets = [7], sizes = [1], strides = [1]} : vector<16xf32> to vector<1xf32>
        %squeeze3A_646 = vector.extract %slice3A_645[0] : f32 from vector<1xf32>
        %broadcast_in_dim3A_647 = vector.broadcast %squeeze3A_646 : f32 to vector<16xf32>
        %get3A_648 = arith.index_cast %add3A_644 : i32 to index
        %get3A_649 = arith.constant 0 : index
        %get3A_650 = tpu.vector_load %arg11[%get3A_648, %get3A_649] {strides = array<i32>} : memref<128x128xf32, #tpu.memory_space<vmem>>, vector<1x16xf32>,
        %get3A_651 = vector.shape_cast %get3A_650 : vector<1x16xf32> to vector<16xf32>
        %mul3A_652 = arith.mulf %get3A_651, %broadcast_in_dim3A_647 : vector<16xf32>
        %swap3A_653 = arith.index_cast %add3A_644 : i32 to index
        %swap3A_654 = arith.constant 0 : index
        %swap3A_655 = tpu.vector_load %arg11[%swap3A_653, %swap3A_654] {strides = array<i32>} : memref<128x128xf32, #tpu.memory_space<vmem>>, vector<1x16xf32>,
        %swap3A_656 = vector.shape_cast %swap3A_655 : vector<1x16xf32> to vector<16xf32>
        %swap3A_657 = vector.shape_cast %mul3A_652 : vector<16xf32> to vector<1x16xf32>
        tpu.vector_store %arg11[%swap3A_653, %swap3A_654], %swap3A_657 {strides = array<i32>} : memref<128x128xf32, #tpu.memory_space<vmem>>, vector<1x16xf32>,
        %get3A_658 = arith.index_cast %add3A_644 : i32 to index
        %get3A_659 = arith.constant 16 : index
        %get3A_660 = tpu.vector_load %arg11[%get3A_658, %get3A_659] {strides = array<i32>} : memref<128x128xf32, #tpu.memory_space<vmem>>, vector<1x16xf32>,
        %get3A_661 = vector.shape_cast %get3A_660 : vector<1x16xf32> to vector<16xf32>
        %mul3A_662 = arith.mulf %get3A_661, %broadcast_in_dim3A_647 : vector<16xf32>
        %swap3A_663 = arith.index_cast %add3A_644 : i32 to index
        %swap3A_664 = arith.constant 16 : index
        %swap3A_665 = tpu.vector_load %arg11[%swap3A_663, %swap3A_664] {strides = array<i32>} : memref<128x128xf32, #tpu.memory_space<vmem>>, vector<1x16xf32>,
        %swap3A_666 = vector.shape_cast %swap3A_665 : vector<1x16xf32> to vector<16xf32>
        %swap3A_667 = vector.shape_cast %mul3A_662 : vector<16xf32> to vector<1x16xf32>
        tpu.vector_store %arg11[%swap3A_663, %swap3A_664], %swap3A_667 {strides = array<i32>} : memref<128x128xf32, #tpu.memory_space<vmem>>, vector<1x16xf32>,
        %get3A_668 = arith.index_cast %add3A_644 : i32 to index
        %get3A_669 = arith.constant 32 : index
        %get3A_670 = tpu.vector_load %arg11[%get3A_668, %get3A_669] {strides = array<i32>} : memref<128x128xf32, #tpu.memory_space<vmem>>, vector<1x16xf32>,
        %get3A_671 = vector.shape_cast %get3A_670 : vector<1x16xf32> to vector<16xf32>
        %mul3A_672 = arith.mulf %get3A_671, %broadcast_in_dim3A_647 : vector<16xf32>
        %swap3A_673 = arith.index_cast %add3A_644 : i32 to index
        %swap3A_674 = arith.constant 32 : index
        %swap3A_675 = tpu.vector_load %arg11[%swap3A_673, %swap3A_674] {strides = array<i32>} : memref<128x128xf32, #tpu.memory_space<vmem>>, vector<1x16xf32>,
        %swap3A_676 = vector.shape_cast %swap3A_675 : vector<1x16xf32> to vector<16xf32>
        %swap3A_677 = vector.shape_cast %mul3A_672 : vector<16xf32> to vector<1x16xf32>
        tpu.vector_store %arg11[%swap3A_673, %swap3A_674], %swap3A_677 {strides = array<i32>} : memref<128x128xf32, #tpu.memory_space<vmem>>, vector<1x16xf32>,
        %get3A_678 = arith.index_cast %add3A_644 : i32 to index
        %get3A_679 = arith.constant 48 : index
        %get3A_680 = tpu.vector_load %arg11[%get3A_678, %get3A_679] {strides = array<i32>} : memref<128x128xf32, #tpu.memory_space<vmem>>, vector<1x16xf32>,
        %get3A_681 = vector.shape_cast %get3A_680 : vector<1x16xf32> to vector<16xf32>
        %mul3A_682 = arith.mulf %get3A_681, %broadcast_in_dim3A_647 : vector<16xf32>
        %swap3A_683 = arith.index_cast %add3A_644 : i32 to index
        %swap3A_684 = arith.constant 48 : index
        %swap3A_685 = tpu.vector_load %arg11[%swap3A_683, %swap3A_684] {strides = array<i32>} : memref<128x128xf32, #tpu.memory_space<vmem>>, vector<1x16xf32>,
        %swap3A_686 = vector.shape_cast %swap3A_685 : vector<1x16xf32> to vector<16xf32>
        %swap3A_687 = vector.shape_cast %mul3A_682 : vector<16xf32> to vector<1x16xf32>
        tpu.vector_store %arg11[%swap3A_683, %swap3A_684], %swap3A_687 {strides = array<i32>} : memref<128x128xf32, #tpu.memory_space<vmem>>, vector<1x16xf32>,
        %get3A_688 = arith.index_cast %add3A_644 : i32 to index
        %get3A_689 = arith.constant 64 : index
        %get3A_690 = tpu.vector_load %arg11[%get3A_688, %get3A_689] {strides = array<i32>} : memref<128x128xf32, #tpu.memory_space<vmem>>, vector<1x16xf32>,
        %get3A_691 = vector.shape_cast %get3A_690 : vector<1x16xf32> to vector<16xf32>
        %mul3A_692 = arith.mulf %get3A_691, %broadcast_in_dim3A_647 : vector<16xf32>
        %swap3A_693 = arith.index_cast %add3A_644 : i32 to index
        %swap3A_694 = arith.constant 64 : index
        %swap3A_695 = tpu.vector_load %arg11[%swap3A_693, %swap3A_694] {strides = array<i32>} : memref<128x128xf32, #tpu.memory_space<vmem>>, vector<1x16xf32>,
        %swap3A_696 = vector.shape_cast %swap3A_695 : vector<1x16xf32> to vector<16xf32>
        %swap3A_697 = vector.shape_cast %mul3A_692 : vector<16xf32> to vector<1x16xf32>
        tpu.vector_store %arg11[%swap3A_693, %swap3A_694], %swap3A_697 {strides = array<i32>} : memref<128x128xf32, #tpu.memory_space<vmem>>, vector<1x16xf32>,
        %get3A_698 = arith.index_cast %add3A_644 : i32 to index
        %get3A_699 = arith.constant 80 : index
        %get3A_700 = tpu.vector_load %arg11[%get3A_698, %get3A_699] {strides = array<i32>} : memref<128x128xf32, #tpu.memory_space<vmem>>, vector<1x16xf32>,
        %get3A_701 = vector.shape_cast %get3A_700 : vector<1x16xf32> to vector<16xf32>
        %mul3A_702 = arith.mulf %get3A_701, %broadcast_in_dim3A_647 : vector<16xf32>
        %swap3A_703 = arith.index_cast %add3A_644 : i32 to index
        %swap3A_704 = arith.constant 80 : index
        %swap3A_705 = tpu.vector_load %arg11[%swap3A_703, %swap3A_704] {strides = array<i32>} : memref<128x128xf32, #tpu.memory_space<vmem>>, vector<1x16xf32>,
        %swap3A_706 = vector.shape_cast %swap3A_705 : vector<1x16xf32> to vector<16xf32>
        %swap3A_707 = vector.shape_cast %mul3A_702 : vector<16xf32> to vector<1x16xf32>
        tpu.vector_store %arg11[%swap3A_703, %swap3A_704], %swap3A_707 {strides = array<i32>} : memref<128x128xf32, #tpu.memory_space<vmem>>, vector<1x16xf32>,
        %get3A_708 = arith.index_cast %add3A_644 : i32 to index
        %get3A_709 = arith.constant 96 : index
        %get3A_710 = tpu.vector_load %arg11[%get3A_708, %get3A_709] {strides = array<i32>} : memref<128x128xf32, #tpu.memory_space<vmem>>, vector<1x16xf32>,
        %get3A_711 = vector.shape_cast %get3A_710 : vector<1x16xf32> to vector<16xf32>
        %mul3A_712 = arith.mulf %get3A_711, %broadcast_in_dim3A_647 : vector<16xf32>
        %swap3A_713 = arith.index_cast %add3A_644 : i32 to index
        %swap3A_714 = arith.constant 96 : index
        %swap3A_715 = tpu.vector_load %arg11[%swap3A_713, %swap3A_714] {strides = array<i32>} : memref<128x128xf32, #tpu.memory_space<vmem>>, vector<1x16xf32>,
        %swap3A_716 = vector.shape_cast %swap3A_715 : vector<1x16xf32> to vector<16xf32>
        %swap3A_717 = vector.shape_cast %mul3A_712 : vector<16xf32> to vector<1x16xf32>
        tpu.vector_store %arg11[%swap3A_713, %swap3A_714], %swap3A_717 {strides = array<i32>} : memref<128x128xf32, #tpu.memory_space<vmem>>, vector<1x16xf32>,
        %get3A_718 = arith.index_cast %add3A_644 : i32 to index
        %get3A_719 = arith.constant 112 : index
        %get3A_720 = tpu.vector_load %arg11[%get3A_718, %get3A_719] {strides = array<i32>} : memref<128x128xf32, #tpu.memory_space<vmem>>, vector<1x16xf32>,
        %get3A_721 = vector.shape_cast %get3A_720 : vector<1x16xf32> to vector<16xf32>
        %mul3A_722 = arith.mulf %get3A_721, %broadcast_in_dim3A_647 : vector<16xf32>
        %swap3A_723 = arith.index_cast %add3A_644 : i32 to index
        %swap3A_724 = arith.constant 112 : index
        %swap3A_725 = tpu.vector_load %arg11[%swap3A_723, %swap3A_724] {strides = array<i32>} : memref<128x128xf32, #tpu.memory_space<vmem>>, vector<1x16xf32>,
        %swap3A_726 = vector.shape_cast %swap3A_725 : vector<1x16xf32> to vector<16xf32>
        %swap3A_727 = vector.shape_cast %mul3A_722 : vector<16xf32> to vector<1x16xf32>
        tpu.vector_store %arg11[%swap3A_723, %swap3A_724], %swap3A_727 {strides = array<i32>} : memref<128x128xf32, #tpu.memory_space<vmem>>, vector<1x16xf32>,
        %mul3A_728 = arith.constant 16 : i32
        %mul3A_729 = arith.muli %scan3A_30, %mul3A_728 : i32
        %add3A_730 = arith.constant 8 : i32
        %add3A_731 = arith.addi %mul3A_729, %add3A_730 : i32
        %slice3A_732 = vector.extract_strided_slice %get3A_35 {offsets = [8], sizes = [1], strides = [1]} : vector<16xf32> to vector<1xf32>
        %squeeze3A_733 = vector.extract %slice3A_732[0] : f32 from vector<1xf32>
        %broadcast_in_dim3A_734 = vector.broadcast %squeeze3A_733 : f32 to vector<16xf32>
        %get3A_735 = arith.index_cast %add3A_731 : i32 to index
        %get3A_736 = arith.constant 0 : index
        %get3A_737 = tpu.vector_load %arg11[%get3A_735, %get3A_736] {strides = array<i32>} : memref<128x128xf32, #tpu.memory_space<vmem>>, vector<1x16xf32>,
        %get3A_738 = vector.shape_cast %get3A_737 : vector<1x16xf32> to vector<16xf32>
        %mul3A_739 = arith.mulf %get3A_738, %broadcast_in_dim3A_734 : vector<16xf32>
        %swap3A_740 = arith.index_cast %add3A_731 : i32 to index
        %swap3A_741 = arith.constant 0 : index
        %swap3A_742 = tpu.vector_load %arg11[%swap3A_740, %swap3A_741] {strides = array<i32>} : memref<128x128xf32, #tpu.memory_space<vmem>>, vector<1x16xf32>,
        %swap3A_743 = vector.shape_cast %swap3A_742 : vector<1x16xf32> to vector<16xf32>
        %swap3A_744 = vector.shape_cast %mul3A_739 : vector<16xf32> to vector<1x16xf32>
        tpu.vector_store %arg11[%swap3A_740, %swap3A_741], %swap3A_744 {strides = array<i32>} : memref<128x128xf32, #tpu.memory_space<vmem>>, vector<1x16xf32>,
        %get3A_745 = arith.index_cast %add3A_731 : i32 to index
        %get3A_746 = arith.constant 16 : index
        %get3A_747 = tpu.vector_load %arg11[%get3A_745, %get3A_746] {strides = array<i32>} : memref<128x128xf32, #tpu.memory_space<vmem>>, vector<1x16xf32>,
        %get3A_748 = vector.shape_cast %get3A_747 : vector<1x16xf32> to vector<16xf32>
        %mul3A_749 = arith.mulf %get3A_748, %broadcast_in_dim3A_734 : vector<16xf32>
        %swap3A_750 = arith.index_cast %add3A_731 : i32 to index
        %swap3A_751 = arith.constant 16 : index
        %swap3A_752 = tpu.vector_load %arg11[%swap3A_750, %swap3A_751] {strides = array<i32>} : memref<128x128xf32, #tpu.memory_space<vmem>>, vector<1x16xf32>,
        %swap3A_753 = vector.shape_cast %swap3A_752 : vector<1x16xf32> to vector<16xf32>
        %swap3A_754 = vector.shape_cast %mul3A_749 : vector<16xf32> to vector<1x16xf32>
        tpu.vector_store %arg11[%swap3A_750, %swap3A_751], %swap3A_754 {strides = array<i32>} : memref<128x128xf32, #tpu.memory_space<vmem>>, vector<1x16xf32>,
        %get3A_755 = arith.index_cast %add3A_731 : i32 to index
        %get3A_756 = arith.constant 32 : index
        %get3A_757 = tpu.vector_load %arg11[%get3A_755, %get3A_756] {strides = array<i32>} : memref<128x128xf32, #tpu.memory_space<vmem>>, vector<1x16xf32>,
        %get3A_758 = vector.shape_cast %get3A_757 : vector<1x16xf32> to vector<16xf32>
        %mul3A_759 = arith.mulf %get3A_758, %broadcast_in_dim3A_734 : vector<16xf32>
        %swap3A_760 = arith.index_cast %add3A_731 : i32 to index
        %swap3A_761 = arith.constant 32 : index
        %swap3A_762 = tpu.vector_load %arg11[%swap3A_760, %swap3A_761] {strides = array<i32>} : memref<128x128xf32, #tpu.memory_space<vmem>>, vector<1x16xf32>,
        %swap3A_763 = vector.shape_cast %swap3A_762 : vector<1x16xf32> to vector<16xf32>
        %swap3A_764 = vector.shape_cast %mul3A_759 : vector<16xf32> to vector<1x16xf32>
        tpu.vector_store %arg11[%swap3A_760, %swap3A_761], %swap3A_764 {strides = array<i32>} : memref<128x128xf32, #tpu.memory_space<vmem>>, vector<1x16xf32>,
        %get3A_765 = arith.index_cast %add3A_731 : i32 to index
        %get3A_766 = arith.constant 48 : index
        %get3A_767 = tpu.vector_load %arg11[%get3A_765, %get3A_766] {strides = array<i32>} : memref<128x128xf32, #tpu.memory_space<vmem>>, vector<1x16xf32>,
        %get3A_768 = vector.shape_cast %get3A_767 : vector<1x16xf32> to vector<16xf32>
        %mul3A_769 = arith.mulf %get3A_768, %broadcast_in_dim3A_734 : vector<16xf32>
        %swap3A_770 = arith.index_cast %add3A_731 : i32 to index
        %swap3A_771 = arith.constant 48 : index
        %swap3A_772 = tpu.vector_load %arg11[%swap3A_770, %swap3A_771] {strides = array<i32>} : memref<128x128xf32, #tpu.memory_space<vmem>>, vector<1x16xf32>,
        %swap3A_773 = vector.shape_cast %swap3A_772 : vector<1x16xf32> to vector<16xf32>
        %swap3A_774 = vector.shape_cast %mul3A_769 : vector<16xf32> to vector<1x16xf32>
        tpu.vector_store %arg11[%swap3A_770, %swap3A_771], %swap3A_774 {strides = array<i32>} : memref<128x128xf32, #tpu.memory_space<vmem>>, vector<1x16xf32>,
        %get3A_775 = arith.index_cast %add3A_731 : i32 to index
        %get3A_776 = arith.constant 64 : index
        %get3A_777 = tpu.vector_load %arg11[%get3A_775, %get3A_776] {strides = array<i32>} : memref<128x128xf32, #tpu.memory_space<vmem>>, vector<1x16xf32>,
        %get3A_778 = vector.shape_cast %get3A_777 : vector<1x16xf32> to vector<16xf32>
        %mul3A_779 = arith.mulf %get3A_778, %broadcast_in_dim3A_734 : vector<16xf32>
        %swap3A_780 = arith.index_cast %add3A_731 : i32 to index
        %swap3A_781 = arith.constant 64 : index
        %swap3A_782 = tpu.vector_load %arg11[%swap3A_780, %swap3A_781] {strides = array<i32>} : memref<128x128xf32, #tpu.memory_space<vmem>>, vector<1x16xf32>,
        %swap3A_783 = vector.shape_cast %swap3A_782 : vector<1x16xf32> to vector<16xf32>
        %swap3A_784 = vector.shape_cast %mul3A_779 : vector<16xf32> to vector<1x16xf32>
        tpu.vector_store %arg11[%swap3A_780, %swap3A_781], %swap3A_784 {strides = array<i32>} : memref<128x128xf32, #tpu.memory_space<vmem>>, vector<1x16xf32>,
        %get3A_785 = arith.index_cast %add3A_731 : i32 to index
        %get3A_786 = arith.constant 80 : index
        %get3A_787 = tpu.vector_load %arg11[%get3A_785, %get3A_786] {strides = array<i32>} : memref<128x128xf32, #tpu.memory_space<vmem>>, vector<1x16xf32>,
        %get3A_788 = vector.shape_cast %get3A_787 : vector<1x16xf32> to vector<16xf32>
        %mul3A_789 = arith.mulf %get3A_788, %broadcast_in_dim3A_734 : vector<16xf32>
        %swap3A_790 = arith.index_cast %add3A_731 : i32 to index
        %swap3A_791 = arith.constant 80 : index
        %swap3A_792 = tpu.vector_load %arg11[%swap3A_790, %swap3A_791] {strides = array<i32>} : memref<128x128xf32, #tpu.memory_space<vmem>>, vector<1x16xf32>,
        %swap3A_793 = vector.shape_cast %swap3A_792 : vector<1x16xf32> to vector<16xf32>
        %swap3A_794 = vector.shape_cast %mul3A_789 : vector<16xf32> to vector<1x16xf32>
        tpu.vector_store %arg11[%swap3A_790, %swap3A_791], %swap3A_794 {strides = array<i32>} : memref<128x128xf32, #tpu.memory_space<vmem>>, vector<1x16xf32>,
        %get3A_795 = arith.index_cast %add3A_731 : i32 to index
        %get3A_796 = arith.constant 96 : index
        %get3A_797 = tpu.vector_load %arg11[%get3A_795, %get3A_796] {strides = array<i32>} : memref<128x128xf32, #tpu.memory_space<vmem>>, vector<1x16xf32>,
        %get3A_798 = vector.shape_cast %get3A_797 : vector<1x16xf32> to vector<16xf32>
        %mul3A_799 = arith.mulf %get3A_798, %broadcast_in_dim3A_734 : vector<16xf32>
        %swap3A_800 = arith.index_cast %add3A_731 : i32 to index
        %swap3A_801 = arith.constant 96 : index
        %swap3A_802 = tpu.vector_load %arg11[%swap3A_800, %swap3A_801] {strides = array<i32>} : memref<128x128xf32, #tpu.memory_space<vmem>>, vector<1x16xf32>,
        %swap3A_803 = vector.shape_cast %swap3A_802 : vector<1x16xf32> to vector<16xf32>
        %swap3A_804 = vector.shape_cast %mul3A_799 : vector<16xf32> to vector<1x16xf32>
        tpu.vector_store %arg11[%swap3A_800, %swap3A_801], %swap3A_804 {strides = array<i32>} : memref<128x128xf32, #tpu.memory_space<vmem>>, vector<1x16xf32>,
        %get3A_805 = arith.index_cast %add3A_731 : i32 to index
        %get3A_806 = arith.constant 112 : index
        %get3A_807 = tpu.vector_load %arg11[%get3A_805, %get3A_806] {strides = array<i32>} : memref<128x128xf32, #tpu.memory_space<vmem>>, vector<1x16xf32>,
        %get3A_808 = vector.shape_cast %get3A_807 : vector<1x16xf32> to vector<16xf32>
        %mul3A_809 = arith.mulf %get3A_808, %broadcast_in_dim3A_734 : vector<16xf32>
        %swap3A_810 = arith.index_cast %add3A_731 : i32 to index
        %swap3A_811 = arith.constant 112 : index
        %swap3A_812 = tpu.vector_load %arg11[%swap3A_810, %swap3A_811] {strides = array<i32>} : memref<128x128xf32, #tpu.memory_space<vmem>>, vector<1x16xf32>,
        %swap3A_813 = vector.shape_cast %swap3A_812 : vector<1x16xf32> to vector<16xf32>
        %swap3A_814 = vector.shape_cast %mul3A_809 : vector<16xf32> to vector<1x16xf32>
        tpu.vector_store %arg11[%swap3A_810, %swap3A_811], %swap3A_814 {strides = array<i32>} : memref<128x128xf32, #tpu.memory_space<vmem>>, vector<1x16xf32>,
        %mul3A_815 = arith.constant 16 : i32
        %mul3A_816 = arith.muli %scan3A_30, %mul3A_815 : i32
        %add3A_817 = arith.constant 9 : i32
        %add3A_818 = arith.addi %mul3A_816, %add3A_817 : i32
        %slice3A_819 = vector.extract_strided_slice %get3A_35 {offsets = [9], sizes = [1], strides = [1]} : vector<16xf32> to vector<1xf32>
        %squeeze3A_820 = vector.extract %slice3A_819[0] : f32 from vector<1xf32>
        %broadcast_in_dim3A_821 = vector.broadcast %squeeze3A_820 : f32 to vector<16xf32>
        %get3A_822 = arith.index_cast %add3A_818 : i32 to index
        %get3A_823 = arith.constant 0 : index
        %get3A_824 = tpu.vector_load %arg11[%get3A_822, %get3A_823] {strides = array<i32>} : memref<128x128xf32, #tpu.memory_space<vmem>>, vector<1x16xf32>,
        %get3A_825 = vector.shape_cast %get3A_824 : vector<1x16xf32> to vector<16xf32>
        %mul3A_826 = arith.mulf %get3A_825, %broadcast_in_dim3A_821 : vector<16xf32>
        %swap3A_827 = arith.index_cast %add3A_818 : i32 to index
        %swap3A_828 = arith.constant 0 : index
        %swap3A_829 = tpu.vector_load %arg11[%swap3A_827, %swap3A_828] {strides = array<i32>} : memref<128x128xf32, #tpu.memory_space<vmem>>, vector<1x16xf32>,
        %swap3A_830 = vector.shape_cast %swap3A_829 : vector<1x16xf32> to vector<16xf32>
        %swap3A_831 = vector.shape_cast %mul3A_826 : vector<16xf32> to vector<1x16xf32>
        tpu.vector_store %arg11[%swap3A_827, %swap3A_828], %swap3A_831 {strides = array<i32>} : memref<128x128xf32, #tpu.memory_space<vmem>>, vector<1x16xf32>,
        %get3A_832 = arith.index_cast %add3A_818 : i32 to index
        %get3A_833 = arith.constant 16 : index
        %get3A_834 = tpu.vector_load %arg11[%get3A_832, %get3A_833] {strides = array<i32>} : memref<128x128xf32, #tpu.memory_space<vmem>>, vector<1x16xf32>,
        %get3A_835 = vector.shape_cast %get3A_834 : vector<1x16xf32> to vector<16xf32>
        %mul3A_836 = arith.mulf %get3A_835, %broadcast_in_dim3A_821 : vector<16xf32>
        %swap3A_837 = arith.index_cast %add3A_818 : i32 to index
        %swap3A_838 = arith.constant 16 : index
        %swap3A_839 = tpu.vector_load %arg11[%swap3A_837, %swap3A_838] {strides = array<i32>} : memref<128x128xf32, #tpu.memory_space<vmem>>, vector<1x16xf32>,
        %swap3A_840 = vector.shape_cast %swap3A_839 : vector<1x16xf32> to vector<16xf32>
        %swap3A_841 = vector.shape_cast %mul3A_836 : vector<16xf32> to vector<1x16xf32>
        tpu.vector_store %arg11[%swap3A_837, %swap3A_838], %swap3A_841 {strides = array<i32>} : memref<128x128xf32, #tpu.memory_space<vmem>>, vector<1x16xf32>,
        %get3A_842 = arith.index_cast %add3A_818 : i32 to index
        %get3A_843 = arith.constant 32 : index
        %get3A_844 = tpu.vector_load %arg11[%get3A_842, %get3A_843] {strides = array<i32>} : memref<128x128xf32, #tpu.memory_space<vmem>>, vector<1x16xf32>,
        %get3A_845 = vector.shape_cast %get3A_844 : vector<1x16xf32> to vector<16xf32>
        %mul3A_846 = arith.mulf %get3A_845, %broadcast_in_dim3A_821 : vector<16xf32>
        %swap3A_847 = arith.index_cast %add3A_818 : i32 to index
        %swap3A_848 = arith.constant 32 : index
        %swap3A_849 = tpu.vector_load %arg11[%swap3A_847, %swap3A_848] {strides = array<i32>} : memref<128x128xf32, #tpu.memory_space<vmem>>, vector<1x16xf32>,
        %swap3A_850 = vector.shape_cast %swap3A_849 : vector<1x16xf32> to vector<16xf32>
        %swap3A_851 = vector.shape_cast %mul3A_846 : vector<16xf32> to vector<1x16xf32>
        tpu.vector_store %arg11[%swap3A_847, %swap3A_848], %swap3A_851 {strides = array<i32>} : memref<128x128xf32, #tpu.memory_space<vmem>>, vector<1x16xf32>,
        %get3A_852 = arith.index_cast %add3A_818 : i32 to index
        %get3A_853 = arith.constant 48 : index
        %get3A_854 = tpu.vector_load %arg11[%get3A_852, %get3A_853] {strides = array<i32>} : memref<128x128xf32, #tpu.memory_space<vmem>>, vector<1x16xf32>,
        %get3A_855 = vector.shape_cast %get3A_854 : vector<1x16xf32> to vector<16xf32>
        %mul3A_856 = arith.mulf %get3A_855, %broadcast_in_dim3A_821 : vector<16xf32>
        %swap3A_857 = arith.index_cast %add3A_818 : i32 to index
        %swap3A_858 = arith.constant 48 : index
        %swap3A_859 = tpu.vector_load %arg11[%swap3A_857, %swap3A_858] {strides = array<i32>} : memref<128x128xf32, #tpu.memory_space<vmem>>, vector<1x16xf32>,
        %swap3A_860 = vector.shape_cast %swap3A_859 : vector<1x16xf32> to vector<16xf32>
        %swap3A_861 = vector.shape_cast %mul3A_856 : vector<16xf32> to vector<1x16xf32>
        tpu.vector_store %arg11[%swap3A_857, %swap3A_858], %swap3A_861 {strides = array<i32>} : memref<128x128xf32, #tpu.memory_space<vmem>>, vector<1x16xf32>,
        %get3A_862 = arith.index_cast %add3A_818 : i32 to index
        %get3A_863 = arith.constant 64 : index
        %get3A_864 = tpu.vector_load %arg11[%get3A_862, %get3A_863] {strides = array<i32>} : memref<128x128xf32, #tpu.memory_space<vmem>>, vector<1x16xf32>,
        %get3A_865 = vector.shape_cast %get3A_864 : vector<1x16xf32> to vector<16xf32>
        %mul3A_866 = arith.mulf %get3A_865, %broadcast_in_dim3A_821 : vector<16xf32>
        %swap3A_867 = arith.index_cast %add3A_818 : i32 to index
        %swap3A_868 = arith.constant 64 : index
        %swap3A_869 = tpu.vector_load %arg11[%swap3A_867, %swap3A_868] {strides = array<i32>} : memref<128x128xf32, #tpu.memory_space<vmem>>, vector<1x16xf32>,
        %swap3A_870 = vector.shape_cast %swap3A_869 : vector<1x16xf32> to vector<16xf32>
        %swap3A_871 = vector.shape_cast %mul3A_866 : vector<16xf32> to vector<1x16xf32>
        tpu.vector_store %arg11[%swap3A_867, %swap3A_868], %swap3A_871 {strides = array<i32>} : memref<128x128xf32, #tpu.memory_space<vmem>>, vector<1x16xf32>,
        %get3A_872 = arith.index_cast %add3A_818 : i32 to index
        %get3A_873 = arith.constant 80 : index
        %get3A_874 = tpu.vector_load %arg11[%get3A_872, %get3A_873] {strides = array<i32>} : memref<128x128xf32, #tpu.memory_space<vmem>>, vector<1x16xf32>,
        %get3A_875 = vector.shape_cast %get3A_874 : vector<1x16xf32> to vector<16xf32>
        %mul3A_876 = arith.mulf %get3A_875, %broadcast_in_dim3A_821 : vector<16xf32>
        %swap3A_877 = arith.index_cast %add3A_818 : i32 to index
        %swap3A_878 = arith.constant 80 : index
        %swap3A_879 = tpu.vector_load %arg11[%swap3A_877, %swap3A_878] {strides = array<i32>} : memref<128x128xf32, #tpu.memory_space<vmem>>, vector<1x16xf32>,
        %swap3A_880 = vector.shape_cast %swap3A_879 : vector<1x16xf32> to vector<16xf32>
        %swap3A_881 = vector.shape_cast %mul3A_876 : vector<16xf32> to vector<1x16xf32>
        tpu.vector_store %arg11[%swap3A_877, %swap3A_878], %swap3A_881 {strides = array<i32>} : memref<128x128xf32, #tpu.memory_space<vmem>>, vector<1x16xf32>,
        %get3A_882 = arith.index_cast %add3A_818 : i32 to index
        %get3A_883 = arith.constant 96 : index
        %get3A_884 = tpu.vector_load %arg11[%get3A_882, %get3A_883] {strides = array<i32>} : memref<128x128xf32, #tpu.memory_space<vmem>>, vector<1x16xf32>,
        %get3A_885 = vector.shape_cast %get3A_884 : vector<1x16xf32> to vector<16xf32>
        %mul3A_886 = arith.mulf %get3A_885, %broadcast_in_dim3A_821 : vector<16xf32>
        %swap3A_887 = arith.index_cast %add3A_818 : i32 to index
        %swap3A_888 = arith.constant 96 : index
        %swap3A_889 = tpu.vector_load %arg11[%swap3A_887, %swap3A_888] {strides = array<i32>} : memref<128x128xf32, #tpu.memory_space<vmem>>, vector<1x16xf32>,
        %swap3A_890 = vector.shape_cast %swap3A_889 : vector<1x16xf32> to vector<16xf32>
        %swap3A_891 = vector.shape_cast %mul3A_886 : vector<16xf32> to vector<1x16xf32>
        tpu.vector_store %arg11[%swap3A_887, %swap3A_888], %swap3A_891 {strides = array<i32>} : memref<128x128xf32, #tpu.memory_space<vmem>>, vector<1x16xf32>,
        %get3A_892 = arith.index_cast %add3A_818 : i32 to index
        %get3A_893 = arith.constant 112 : index
        %get3A_894 = tpu.vector_load %arg11[%get3A_892, %get3A_893] {strides = array<i32>} : memref<128x128xf32, #tpu.memory_space<vmem>>, vector<1x16xf32>,
        %get3A_895 = vector.shape_cast %get3A_894 : vector<1x16xf32> to vector<16xf32>
        %mul3A_896 = arith.mulf %get3A_895, %broadcast_in_dim3A_821 : vector<16xf32>
        %swap3A_897 = arith.index_cast %add3A_818 : i32 to index
        %swap3A_898 = arith.constant 112 : index
        %swap3A_899 = tpu.vector_load %arg11[%swap3A_897, %swap3A_898] {strides = array<i32>} : memref<128x128xf32, #tpu.memory_space<vmem>>, vector<1x16xf32>,
        %swap3A_900 = vector.shape_cast %swap3A_899 : vector<1x16xf32> to vector<16xf32>
        %swap3A_901 = vector.shape_cast %mul3A_896 : vector<16xf32> to vector<1x16xf32>
        tpu.vector_store %arg11[%swap3A_897, %swap3A_898], %swap3A_901 {strides = array<i32>} : memref<128x128xf32, #tpu.memory_space<vmem>>, vector<1x16xf32>,
        %mul3A_902 = arith.constant 16 : i32
        %mul3A_903 = arith.muli %scan3A_30, %mul3A_902 : i32
        %add3A_904 = arith.constant 10 : i32
        %add3A_905 = arith.addi %mul3A_903, %add3A_904 : i32
        %slice3A_906 = vector.extract_strided_slice %get3A_35 {offsets = [10], sizes = [1], strides = [1]} : vector<16xf32> to vector<1xf32>
        %squeeze3A_907 = vector.extract %slice3A_906[0] : f32 from vector<1xf32>
        %broadcast_in_dim3A_908 = vector.broadcast %squeeze3A_907 : f32 to vector<16xf32>
        %get3A_909 = arith.index_cast %add3A_905 : i32 to index
        %get3A_910 = arith.constant 0 : index
        %get3A_911 = tpu.vector_load %arg11[%get3A_909, %get3A_910] {strides = array<i32>} : memref<128x128xf32, #tpu.memory_space<vmem>>, vector<1x16xf32>,
        %get3A_912 = vector.shape_cast %get3A_911 : vector<1x16xf32> to vector<16xf32>
        %mul3A_913 = arith.mulf %get3A_912, %broadcast_in_dim3A_908 : vector<16xf32>
        %swap3A_914 = arith.index_cast %add3A_905 : i32 to index
        %swap3A_915 = arith.constant 0 : index
        %swap3A_916 = tpu.vector_load %arg11[%swap3A_914, %swap3A_915] {strides = array<i32>} : memref<128x128xf32, #tpu.memory_space<vmem>>, vector<1x16xf32>,
        %swap3A_917 = vector.shape_cast %swap3A_916 : vector<1x16xf32> to vector<16xf32>
        %swap3A_918 = vector.shape_cast %mul3A_913 : vector<16xf32> to vector<1x16xf32>
        tpu.vector_store %arg11[%swap3A_914, %swap3A_915], %swap3A_918 {strides = array<i32>} : memref<128x128xf32, #tpu.memory_space<vmem>>, vector<1x16xf32>,
        %get3A_919 = arith.index_cast %add3A_905 : i32 to index
        %get3A_920 = arith.constant 16 : index
        %get3A_921 = tpu.vector_load %arg11[%get3A_919, %get3A_920] {strides = array<i32>} : memref<128x128xf32, #tpu.memory_space<vmem>>, vector<1x16xf32>,
        %get3A_922 = vector.shape_cast %get3A_921 : vector<1x16xf32> to vector<16xf32>
        %mul3A_923 = arith.mulf %get3A_922, %broadcast_in_dim3A_908 : vector<16xf32>
        %swap3A_924 = arith.index_cast %add3A_905 : i32 to index
        %swap3A_925 = arith.constant 16 : index
        %swap3A_926 = tpu.vector_load %arg11[%swap3A_924, %swap3A_925] {strides = array<i32>} : memref<128x128xf32, #tpu.memory_space<vmem>>, vector<1x16xf32>,
        %swap3A_927 = vector.shape_cast %swap3A_926 : vector<1x16xf32> to vector<16xf32>
        %swap3A_928 = vector.shape_cast %mul3A_923 : vector<16xf32> to vector<1x16xf32>
        tpu.vector_store %arg11[%swap3A_924, %swap3A_925], %swap3A_928 {strides = array<i32>} : memref<128x128xf32, #tpu.memory_space<vmem>>, vector<1x16xf32>,
        %get3A_929 = arith.index_cast %add3A_905 : i32 to index
        %get3A_930 = arith.constant 32 : index
        %get3A_931 = tpu.vector_load %arg11[%get3A_929, %get3A_930] {strides = array<i32>} : memref<128x128xf32, #tpu.memory_space<vmem>>, vector<1x16xf32>,
        %get3A_932 = vector.shape_cast %get3A_931 : vector<1x16xf32> to vector<16xf32>
        %mul3A_933 = arith.mulf %get3A_932, %broadcast_in_dim3A_908 : vector<16xf32>
        %swap3A_934 = arith.index_cast %add3A_905 : i32 to index
        %swap3A_935 = arith.constant 32 : index
        %swap3A_936 = tpu.vector_load %arg11[%swap3A_934, %swap3A_935] {strides = array<i32>} : memref<128x128xf32, #tpu.memory_space<vmem>>, vector<1x16xf32>,
        %swap3A_937 = vector.shape_cast %swap3A_936 : vector<1x16xf32> to vector<16xf32>
        %swap3A_938 = vector.shape_cast %mul3A_933 : vector<16xf32> to vector<1x16xf32>
        tpu.vector_store %arg11[%swap3A_934, %swap3A_935], %swap3A_938 {strides = array<i32>} : memref<128x128xf32, #tpu.memory_space<vmem>>, vector<1x16xf32>,
        %get3A_939 = arith.index_cast %add3A_905 : i32 to index
        %get3A_940 = arith.constant 48 : index
        %get3A_941 = tpu.vector_load %arg11[%get3A_939, %get3A_940] {strides = array<i32>} : memref<128x128xf32, #tpu.memory_space<vmem>>, vector<1x16xf32>,
        %get3A_942 = vector.shape_cast %get3A_941 : vector<1x16xf32> to vector<16xf32>
        %mul3A_943 = arith.mulf %get3A_942, %broadcast_in_dim3A_908 : vector<16xf32>
        %swap3A_944 = arith.index_cast %add3A_905 : i32 to index
        %swap3A_945 = arith.constant 48 : index
        %swap3A_946 = tpu.vector_load %arg11[%swap3A_944, %swap3A_945] {strides = array<i32>} : memref<128x128xf32, #tpu.memory_space<vmem>>, vector<1x16xf32>,
        %swap3A_947 = vector.shape_cast %swap3A_946 : vector<1x16xf32> to vector<16xf32>
        %swap3A_948 = vector.shape_cast %mul3A_943 : vector<16xf32> to vector<1x16xf32>
        tpu.vector_store %arg11[%swap3A_944, %swap3A_945], %swap3A_948 {strides = array<i32>} : memref<128x128xf32, #tpu.memory_space<vmem>>, vector<1x16xf32>,
        %get3A_949 = arith.index_cast %add3A_905 : i32 to index
        %get3A_950 = arith.constant 64 : index
        %get3A_951 = tpu.vector_load %arg11[%get3A_949, %get3A_950] {strides = array<i32>} : memref<128x128xf32, #tpu.memory_space<vmem>>, vector<1x16xf32>,
        %get3A_952 = vector.shape_cast %get3A_951 : vector<1x16xf32> to vector<16xf32>
        %mul3A_953 = arith.mulf %get3A_952, %broadcast_in_dim3A_908 : vector<16xf32>
        %swap3A_954 = arith.index_cast %add3A_905 : i32 to index
        %swap3A_955 = arith.constant 64 : index
        %swap3A_956 = tpu.vector_load %arg11[%swap3A_954, %swap3A_955] {strides = array<i32>} : memref<128x128xf32, #tpu.memory_space<vmem>>, vector<1x16xf32>,
        %swap3A_957 = vector.shape_cast %swap3A_956 : vector<1x16xf32> to vector<16xf32>
        %swap3A_958 = vector.shape_cast %mul3A_953 : vector<16xf32> to vector<1x16xf32>
        tpu.vector_store %arg11[%swap3A_954, %swap3A_955], %swap3A_958 {strides = array<i32>} : memref<128x128xf32, #tpu.memory_space<vmem>>, vector<1x16xf32>,
        %get3A_959 = arith.index_cast %add3A_905 : i32 to index
        %get3A_960 = arith.constant 80 : index
        %get3A_961 = tpu.vector_load %arg11[%get3A_959, %get3A_960] {strides = array<i32>} : memref<128x128xf32, #tpu.memory_space<vmem>>, vector<1x16xf32>,
        %get3A_962 = vector.shape_cast %get3A_961 : vector<1x16xf32> to vector<16xf32>
        %mul3A_963 = arith.mulf %get3A_962, %broadcast_in_dim3A_908 : vector<16xf32>
        %swap3A_964 = arith.index_cast %add3A_905 : i32 to index
        %swap3A_965 = arith.constant 80 : index
        %swap3A_966 = tpu.vector_load %arg11[%swap3A_964, %swap3A_965] {strides = array<i32>} : memref<128x128xf32, #tpu.memory_space<vmem>>, vector<1x16xf32>,
        %swap3A_967 = vector.shape_cast %swap3A_966 : vector<1x16xf32> to vector<16xf32>
        %swap3A_968 = vector.shape_cast %mul3A_963 : vector<16xf32> to vector<1x16xf32>
        tpu.vector_store %arg11[%swap3A_964, %swap3A_965], %swap3A_968 {strides = array<i32>} : memref<128x128xf32, #tpu.memory_space<vmem>>, vector<1x16xf32>,
        %get3A_969 = arith.index_cast %add3A_905 : i32 to index
        %get3A_970 = arith.constant 96 : index
        %get3A_971 = tpu.vector_load %arg11[%get3A_969, %get3A_970] {strides = array<i32>} : memref<128x128xf32, #tpu.memory_space<vmem>>, vector<1x16xf32>,
        %get3A_972 = vector.shape_cast %get3A_971 : vector<1x16xf32> to vector<16xf32>
        %mul3A_973 = arith.mulf %get3A_972, %broadcast_in_dim3A_908 : vector<16xf32>
        %swap3A_974 = arith.index_cast %add3A_905 : i32 to index
        %swap3A_975 = arith.constant 96 : index
        %swap3A_976 = tpu.vector_load %arg11[%swap3A_974, %swap3A_975] {strides = array<i32>} : memref<128x128xf32, #tpu.memory_space<vmem>>, vector<1x16xf32>,
        %swap3A_977 = vector.shape_cast %swap3A_976 : vector<1x16xf32> to vector<16xf32>
        %swap3A_978 = vector.shape_cast %mul3A_973 : vector<16xf32> to vector<1x16xf32>
        tpu.vector_store %arg11[%swap3A_974, %swap3A_975], %swap3A_978 {strides = array<i32>} : memref<128x128xf32, #tpu.memory_space<vmem>>, vector<1x16xf32>,
        %get3A_979 = arith.index_cast %add3A_905 : i32 to index
        %get3A_980 = arith.constant 112 : index
        %get3A_981 = tpu.vector_load %arg11[%get3A_979, %get3A_980] {strides = array<i32>} : memref<128x128xf32, #tpu.memory_space<vmem>>, vector<1x16xf32>,
        %get3A_982 = vector.shape_cast %get3A_981 : vector<1x16xf32> to vector<16xf32>
        %mul3A_983 = arith.mulf %get3A_982, %broadcast_in_dim3A_908 : vector<16xf32>
        %swap3A_984 = arith.index_cast %add3A_905 : i32 to index
        %swap3A_985 = arith.constant 112 : index
        %swap3A_986 = tpu.vector_load %arg11[%swap3A_984, %swap3A_985] {strides = array<i32>} : memref<128x128xf32, #tpu.memory_space<vmem>>, vector<1x16xf32>,
        %swap3A_987 = vector.shape_cast %swap3A_986 : vector<1x16xf32> to vector<16xf32>
        %swap3A_988 = vector.shape_cast %mul3A_983 : vector<16xf32> to vector<1x16xf32>
        tpu.vector_store %arg11[%swap3A_984, %swap3A_985], %swap3A_988 {strides = array<i32>} : memref<128x128xf32, #tpu.memory_space<vmem>>, vector<1x16xf32>,
        %mul3A_989 = arith.constant 16 : i32
        %mul3A_990 = arith.muli %scan3A_30, %mul3A_989 : i32
        %add3A_991 = arith.constant 11 : i32
        %add3A_992 = arith.addi %mul3A_990, %add3A_991 : i32
        %slice3A_993 = vector.extract_strided_slice %get3A_35 {offsets = [11], sizes = [1], strides = [1]} : vector<16xf32> to vector<1xf32>
        %squeeze3A_994 = vector.extract %slice3A_993[0] : f32 from vector<1xf32>
        %broadcast_in_dim3A_995 = vector.broadcast %squeeze3A_994 : f32 to vector<16xf32>
        %get3A_996 = arith.index_cast %add3A_992 : i32 to index
        %get3A_997 = arith.constant 0 : index
        %get3A_998 = tpu.vector_load %arg11[%get3A_996, %get3A_997] {strides = array<i32>} : memref<128x128xf32, #tpu.memory_space<vmem>>, vector<1x16xf32>,
        %get3A_999 = vector.shape_cast %get3A_998 : vector<1x16xf32> to vector<16xf32>
        %mul3A_1000 = arith.mulf %get3A_999, %broadcast_in_dim3A_995 : vector<16xf32>
        %swap3A_1001 = arith.index_cast %add3A_992 : i32 to index
        %swap3A_1002 = arith.constant 0 : index
        %swap3A_1003 = tpu.vector_load %arg11[%swap3A_1001, %swap3A_1002] {strides = array<i32>} : memref<128x128xf32, #tpu.memory_space<vmem>>, vector<1x16xf32>,
        %swap3A_1004 = vector.shape_cast %swap3A_1003 : vector<1x16xf32> to vector<16xf32>
        %swap3A_1005 = vector.shape_cast %mul3A_1000 : vector<16xf32> to vector<1x16xf32>
        tpu.vector_store %arg11[%swap3A_1001, %swap3A_1002], %swap3A_1005 {strides = array<i32>} : memref<128x128xf32, #tpu.memory_space<vmem>>, vector<1x16xf32>,
        %get3A_1006 = arith.index_cast %add3A_992 : i32 to index
        %get3A_1007 = arith.constant 16 : index
        %get3A_1008 = tpu.vector_load %arg11[%get3A_1006, %get3A_1007] {strides = array<i32>} : memref<128x128xf32, #tpu.memory_space<vmem>>, vector<1x16xf32>,
        %get3A_1009 = vector.shape_cast %get3A_1008 : vector<1x16xf32> to vector<16xf32>
        %mul3A_1010 = arith.mulf %get3A_1009, %broadcast_in_dim3A_995 : vector<16xf32>
        %swap3A_1011 = arith.index_cast %add3A_992 : i32 to index
        %swap3A_1012 = arith.constant 16 : index
        %swap3A_1013 = tpu.vector_load %arg11[%swap3A_1011, %swap3A_1012] {strides = array<i32>} : memref<128x128xf32, #tpu.memory_space<vmem>>, vector<1x16xf32>,
        %swap3A_1014 = vector.shape_cast %swap3A_1013 : vector<1x16xf32> to vector<16xf32>
        %swap3A_1015 = vector.shape_cast %mul3A_1010 : vector<16xf32> to vector<1x16xf32>
        tpu.vector_store %arg11[%swap3A_1011, %swap3A_1012], %swap3A_1015 {strides = array<i32>} : memref<128x128xf32, #tpu.memory_space<vmem>>, vector<1x16xf32>,
        %get3A_1016 = arith.index_cast %add3A_992 : i32 to index
        %get3A_1017 = arith.constant 32 : index
        %get3A_1018 = tpu.vector_load %arg11[%get3A_1016, %get3A_1017] {strides = array<i32>} : memref<128x128xf32, #tpu.memory_space<vmem>>, vector<1x16xf32>,
        %get3A_1019 = vector.shape_cast %get3A_1018 : vector<1x16xf32> to vector<16xf32>
        %mul3A_1020 = arith.mulf %get3A_1019, %broadcast_in_dim3A_995 : vector<16xf32>
        %swap3A_1021 = arith.index_cast %add3A_992 : i32 to index
        %swap3A_1022 = arith.constant 32 : index
        %swap3A_1023 = tpu.vector_load %arg11[%swap3A_1021, %swap3A_1022] {strides = array<i32>} : memref<128x128xf32, #tpu.memory_space<vmem>>, vector<1x16xf32>,
        %swap3A_1024 = vector.shape_cast %swap3A_1023 : vector<1x16xf32> to vector<16xf32>
        %swap3A_1025 = vector.shape_cast %mul3A_1020 : vector<16xf32> to vector<1x16xf32>
        tpu.vector_store %arg11[%swap3A_1021, %swap3A_1022], %swap3A_1025 {strides = array<i32>} : memref<128x128xf32, #tpu.memory_space<vmem>>, vector<1x16xf32>,
        %get3A_1026 = arith.index_cast %add3A_992 : i32 to index
        %get3A_1027 = arith.constant 48 : index
        %get3A_1028 = tpu.vector_load %arg11[%get3A_1026, %get3A_1027] {strides = array<i32>} : memref<128x128xf32, #tpu.memory_space<vmem>>, vector<1x16xf32>,
        %get3A_1029 = vector.shape_cast %get3A_1028 : vector<1x16xf32> to vector<16xf32>
        %mul3A_1030 = arith.mulf %get3A_1029, %broadcast_in_dim3A_995 : vector<16xf32>
        %swap3A_1031 = arith.index_cast %add3A_992 : i32 to index
        %swap3A_1032 = arith.constant 48 : index
        %swap3A_1033 = tpu.vector_load %arg11[%swap3A_1031, %swap3A_1032] {strides = array<i32>} : memref<128x128xf32, #tpu.memory_space<vmem>>, vector<1x16xf32>,
        %swap3A_1034 = vector.shape_cast %swap3A_1033 : vector<1x16xf32> to vector<16xf32>
        %swap3A_1035 = vector.shape_cast %mul3A_1030 : vector<16xf32> to vector<1x16xf32>
        tpu.vector_store %arg11[%swap3A_1031, %swap3A_1032], %swap3A_1035 {strides = array<i32>} : memref<128x128xf32, #tpu.memory_space<vmem>>, vector<1x16xf32>,
        %get3A_1036 = arith.index_cast %add3A_992 : i32 to index
        %get3A_1037 = arith.constant 64 : index
        %get3A_1038 = tpu.vector_load %arg11[%get3A_1036, %get3A_1037] {strides = array<i32>} : memref<128x128xf32, #tpu.memory_space<vmem>>, vector<1x16xf32>,
        %get3A_1039 = vector.shape_cast %get3A_1038 : vector<1x16xf32> to vector<16xf32>
        %mul3A_1040 = arith.mulf %get3A_1039, %broadcast_in_dim3A_995 : vector<16xf32>
        %swap3A_1041 = arith.index_cast %add3A_992 : i32 to index
        %swap3A_1042 = arith.constant 64 : index
        %swap3A_1043 = tpu.vector_load %arg11[%swap3A_1041, %swap3A_1042] {strides = array<i32>} : memref<128x128xf32, #tpu.memory_space<vmem>>, vector<1x16xf32>,
        %swap3A_1044 = vector.shape_cast %swap3A_1043 : vector<1x16xf32> to vector<16xf32>
        %swap3A_1045 = vector.shape_cast %mul3A_1040 : vector<16xf32> to vector<1x16xf32>
        tpu.vector_store %arg11[%swap3A_1041, %swap3A_1042], %swap3A_1045 {strides = array<i32>} : memref<128x128xf32, #tpu.memory_space<vmem>>, vector<1x16xf32>,
        %get3A_1046 = arith.index_cast %add3A_992 : i32 to index
        %get3A_1047 = arith.constant 80 : index
        %get3A_1048 = tpu.vector_load %arg11[%get3A_1046, %get3A_1047] {strides = array<i32>} : memref<128x128xf32, #tpu.memory_space<vmem>>, vector<1x16xf32>,
        %get3A_1049 = vector.shape_cast %get3A_1048 : vector<1x16xf32> to vector<16xf32>
        %mul3A_1050 = arith.mulf %get3A_1049, %broadcast_in_dim3A_995 : vector<16xf32>
        %swap3A_1051 = arith.index_cast %add3A_992 : i32 to index
        %swap3A_1052 = arith.constant 80 : index
        %swap3A_1053 = tpu.vector_load %arg11[%swap3A_1051, %swap3A_1052] {strides = array<i32>} : memref<128x128xf32, #tpu.memory_space<vmem>>, vector<1x16xf32>,
        %swap3A_1054 = vector.shape_cast %swap3A_1053 : vector<1x16xf32> to vector<16xf32>
        %swap3A_1055 = vector.shape_cast %mul3A_1050 : vector<16xf32> to vector<1x16xf32>
        tpu.vector_store %arg11[%swap3A_1051, %swap3A_1052], %swap3A_1055 {strides = array<i32>} : memref<128x128xf32, #tpu.memory_space<vmem>>, vector<1x16xf32>,
        %get3A_1056 = arith.index_cast %add3A_992 : i32 to index
        %get3A_1057 = arith.constant 96 : index
        %get3A_1058 = tpu.vector_load %arg11[%get3A_1056, %get3A_1057] {strides = array<i32>} : memref<128x128xf32, #tpu.memory_space<vmem>>, vector<1x16xf32>,
        %get3A_1059 = vector.shape_cast %get3A_1058 : vector<1x16xf32> to vector<16xf32>
        %mul3A_1060 = arith.mulf %get3A_1059, %broadcast_in_dim3A_995 : vector<16xf32>
        %swap3A_1061 = arith.index_cast %add3A_992 : i32 to index
        %swap3A_1062 = arith.constant 96 : index
        %swap3A_1063 = tpu.vector_load %arg11[%swap3A_1061, %swap3A_1062] {strides = array<i32>} : memref<128x128xf32, #tpu.memory_space<vmem>>, vector<1x16xf32>,
        %swap3A_1064 = vector.shape_cast %swap3A_1063 : vector<1x16xf32> to vector<16xf32>
        %swap3A_1065 = vector.shape_cast %mul3A_1060 : vector<16xf32> to vector<1x16xf32>
        tpu.vector_store %arg11[%swap3A_1061, %swap3A_1062], %swap3A_1065 {strides = array<i32>} : memref<128x128xf32, #tpu.memory_space<vmem>>, vector<1x16xf32>,
        %get3A_1066 = arith.index_cast %add3A_992 : i32 to index
        %get3A_1067 = arith.constant 112 : index
        %get3A_1068 = tpu.vector_load %arg11[%get3A_1066, %get3A_1067] {strides = array<i32>} : memref<128x128xf32, #tpu.memory_space<vmem>>, vector<1x16xf32>,
        %get3A_1069 = vector.shape_cast %get3A_1068 : vector<1x16xf32> to vector<16xf32>
        %mul3A_1070 = arith.mulf %get3A_1069, %broadcast_in_dim3A_995 : vector<16xf32>
        %swap3A_1071 = arith.index_cast %add3A_992 : i32 to index
        %swap3A_1072 = arith.constant 112 : index
        %swap3A_1073 = tpu.vector_load %arg11[%swap3A_1071, %swap3A_1072] {strides = array<i32>} : memref<128x128xf32, #tpu.memory_space<vmem>>, vector<1x16xf32>,
        %swap3A_1074 = vector.shape_cast %swap3A_1073 : vector<1x16xf32> to vector<16xf32>
        %swap3A_1075 = vector.shape_cast %mul3A_1070 : vector<16xf32> to vector<1x16xf32>
        tpu.vector_store %arg11[%swap3A_1071, %swap3A_1072], %swap3A_1075 {strides = array<i32>} : memref<128x128xf32, #tpu.memory_space<vmem>>, vector<1x16xf32>,
        %mul3A_1076 = arith.constant 16 : i32
        %mul3A_1077 = arith.muli %scan3A_30, %mul3A_1076 : i32
        %add3A_1078 = arith.constant 12 : i32
        %add3A_1079 = arith.addi %mul3A_1077, %add3A_1078 : i32
        %slice3A_1080 = vector.extract_strided_slice %get3A_35 {offsets = [12], sizes = [1], strides = [1]} : vector<16xf32> to vector<1xf32>
        %squeeze3A_1081 = vector.extract %slice3A_1080[0] : f32 from vector<1xf32>
        %broadcast_in_dim3A_1082 = vector.broadcast %squeeze3A_1081 : f32 to vector<16xf32>
        %get3A_1083 = arith.index_cast %add3A_1079 : i32 to index
        %get3A_1084 = arith.constant 0 : index
        %get3A_1085 = tpu.vector_load %arg11[%get3A_1083, %get3A_1084] {strides = array<i32>} : memref<128x128xf32, #tpu.memory_space<vmem>>, vector<1x16xf32>,
        %get3A_1086 = vector.shape_cast %get3A_1085 : vector<1x16xf32> to vector<16xf32>
        %mul3A_1087 = arith.mulf %get3A_1086, %broadcast_in_dim3A_1082 : vector<16xf32>
        %swap3A_1088 = arith.index_cast %add3A_1079 : i32 to index
        %swap3A_1089 = arith.constant 0 : index
        %swap3A_1090 = tpu.vector_load %arg11[%swap3A_1088, %swap3A_1089] {strides = array<i32>} : memref<128x128xf32, #tpu.memory_space<vmem>>, vector<1x16xf32>,
        %swap3A_1091 = vector.shape_cast %swap3A_1090 : vector<1x16xf32> to vector<16xf32>
        %swap3A_1092 = vector.shape_cast %mul3A_1087 : vector<16xf32> to vector<1x16xf32>
        tpu.vector_store %arg11[%swap3A_1088, %swap3A_1089], %swap3A_1092 {strides = array<i32>} : memref<128x128xf32, #tpu.memory_space<vmem>>, vector<1x16xf32>,
        %get3A_1093 = arith.index_cast %add3A_1079 : i32 to index
        %get3A_1094 = arith.constant 16 : index
        %get3A_1095 = tpu.vector_load %arg11[%get3A_1093, %get3A_1094] {strides = array<i32>} : memref<128x128xf32, #tpu.memory_space<vmem>>, vector<1x16xf32>,
        %get3A_1096 = vector.shape_cast %get3A_1095 : vector<1x16xf32> to vector<16xf32>
        %mul3A_1097 = arith.mulf %get3A_1096, %broadcast_in_dim3A_1082 : vector<16xf32>
        %swap3A_1098 = arith.index_cast %add3A_1079 : i32 to index
        %swap3A_1099 = arith.constant 16 : index
        %swap3A_1100 = tpu.vector_load %arg11[%swap3A_1098, %swap3A_1099] {strides = array<i32>} : memref<128x128xf32, #tpu.memory_space<vmem>>, vector<1x16xf32>,
        %swap3A_1101 = vector.shape_cast %swap3A_1100 : vector<1x16xf32> to vector<16xf32>
        %swap3A_1102 = vector.shape_cast %mul3A_1097 : vector<16xf32> to vector<1x16xf32>
        tpu.vector_store %arg11[%swap3A_1098, %swap3A_1099], %swap3A_1102 {strides = array<i32>} : memref<128x128xf32, #tpu.memory_space<vmem>>, vector<1x16xf32>,
        %get3A_1103 = arith.index_cast %add3A_1079 : i32 to index
        %get3A_1104 = arith.constant 32 : index
        %get3A_1105 = tpu.vector_load %arg11[%get3A_1103, %get3A_1104] {strides = array<i32>} : memref<128x128xf32, #tpu.memory_space<vmem>>, vector<1x16xf32>,
        %get3A_1106 = vector.shape_cast %get3A_1105 : vector<1x16xf32> to vector<16xf32>
        %mul3A_1107 = arith.mulf %get3A_1106, %broadcast_in_dim3A_1082 : vector<16xf32>
        %swap3A_1108 = arith.index_cast %add3A_1079 : i32 to index
        %swap3A_1109 = arith.constant 32 : index
        %swap3A_1110 = tpu.vector_load %arg11[%swap3A_1108, %swap3A_1109] {strides = array<i32>} : memref<128x128xf32, #tpu.memory_space<vmem>>, vector<1x16xf32>,
        %swap3A_1111 = vector.shape_cast %swap3A_1110 : vector<1x16xf32> to vector<16xf32>
        %swap3A_1112 = vector.shape_cast %mul3A_1107 : vector<16xf32> to vector<1x16xf32>
        tpu.vector_store %arg11[%swap3A_1108, %swap3A_1109], %swap3A_1112 {strides = array<i32>} : memref<128x128xf32, #tpu.memory_space<vmem>>, vector<1x16xf32>,
        %get3A_1113 = arith.index_cast %add3A_1079 : i32 to index
        %get3A_1114 = arith.constant 48 : index
        %get3A_1115 = tpu.vector_load %arg11[%get3A_1113, %get3A_1114] {strides = array<i32>} : memref<128x128xf32, #tpu.memory_space<vmem>>, vector<1x16xf32>,
        %get3A_1116 = vector.shape_cast %get3A_1115 : vector<1x16xf32> to vector<16xf32>
        %mul3A_1117 = arith.mulf %get3A_1116, %broadcast_in_dim3A_1082 : vector<16xf32>
        %swap3A_1118 = arith.index_cast %add3A_1079 : i32 to index
        %swap3A_1119 = arith.constant 48 : index
        %swap3A_1120 = tpu.vector_load %arg11[%swap3A_1118, %swap3A_1119] {strides = array<i32>} : memref<128x128xf32, #tpu.memory_space<vmem>>, vector<1x16xf32>,
        %swap3A_1121 = vector.shape_cast %swap3A_1120 : vector<1x16xf32> to vector<16xf32>
        %swap3A_1122 = vector.shape_cast %mul3A_1117 : vector<16xf32> to vector<1x16xf32>
        tpu.vector_store %arg11[%swap3A_1118, %swap3A_1119], %swap3A_1122 {strides = array<i32>} : memref<128x128xf32, #tpu.memory_space<vmem>>, vector<1x16xf32>,
        %get3A_1123 = arith.index_cast %add3A_1079 : i32 to index
        %get3A_1124 = arith.constant 64 : index
        %get3A_1125 = tpu.vector_load %arg11[%get3A_1123, %get3A_1124] {strides = array<i32>} : memref<128x128xf32, #tpu.memory_space<vmem>>, vector<1x16xf32>,
        %get3A_1126 = vector.shape_cast %get3A_1125 : vector<1x16xf32> to vector<16xf32>
        %mul3A_1127 = arith.mulf %get3A_1126, %broadcast_in_dim3A_1082 : vector<16xf32>
        %swap3A_1128 = arith.index_cast %add3A_1079 : i32 to index
        %swap3A_1129 = arith.constant 64 : index
        %swap3A_1130 = tpu.vector_load %arg11[%swap3A_1128, %swap3A_1129] {strides = array<i32>} : memref<128x128xf32, #tpu.memory_space<vmem>>, vector<1x16xf32>,
        %swap3A_1131 = vector.shape_cast %swap3A_1130 : vector<1x16xf32> to vector<16xf32>
        %swap3A_1132 = vector.shape_cast %mul3A_1127 : vector<16xf32> to vector<1x16xf32>
        tpu.vector_store %arg11[%swap3A_1128, %swap3A_1129], %swap3A_1132 {strides = array<i32>} : memref<128x128xf32, #tpu.memory_space<vmem>>, vector<1x16xf32>,
        %get3A_1133 = arith.index_cast %add3A_1079 : i32 to index
        %get3A_1134 = arith.constant 80 : index
        %get3A_1135 = tpu.vector_load %arg11[%get3A_1133, %get3A_1134] {strides = array<i32>} : memref<128x128xf32, #tpu.memory_space<vmem>>, vector<1x16xf32>,
        %get3A_1136 = vector.shape_cast %get3A_1135 : vector<1x16xf32> to vector<16xf32>
        %mul3A_1137 = arith.mulf %get3A_1136, %broadcast_in_dim3A_1082 : vector<16xf32>
        %swap3A_1138 = arith.index_cast %add3A_1079 : i32 to index
        %swap3A_1139 = arith.constant 80 : index
        %swap3A_1140 = tpu.vector_load %arg11[%swap3A_1138, %swap3A_1139] {strides = array<i32>} : memref<128x128xf32, #tpu.memory_space<vmem>>, vector<1x16xf32>,
        %swap3A_1141 = vector.shape_cast %swap3A_1140 : vector<1x16xf32> to vector<16xf32>
        %swap3A_1142 = vector.shape_cast %mul3A_1137 : vector<16xf32> to vector<1x16xf32>
        tpu.vector_store %arg11[%swap3A_1138, %swap3A_1139], %swap3A_1142 {strides = array<i32>} : memref<128x128xf32, #tpu.memory_space<vmem>>, vector<1x16xf32>,
        %get3A_1143 = arith.index_cast %add3A_1079 : i32 to index
        %get3A_1144 = arith.constant 96 : index
        %get3A_1145 = tpu.vector_load %arg11[%get3A_1143, %get3A_1144] {strides = array<i32>} : memref<128x128xf32, #tpu.memory_space<vmem>>, vector<1x16xf32>,
        %get3A_1146 = vector.shape_cast %get3A_1145 : vector<1x16xf32> to vector<16xf32>
        %mul3A_1147 = arith.mulf %get3A_1146, %broadcast_in_dim3A_1082 : vector<16xf32>
        %swap3A_1148 = arith.index_cast %add3A_1079 : i32 to index
        %swap3A_1149 = arith.constant 96 : index
        %swap3A_1150 = tpu.vector_load %arg11[%swap3A_1148, %swap3A_1149] {strides = array<i32>} : memref<128x128xf32, #tpu.memory_space<vmem>>, vector<1x16xf32>,
        %swap3A_1151 = vector.shape_cast %swap3A_1150 : vector<1x16xf32> to vector<16xf32>
        %swap3A_1152 = vector.shape_cast %mul3A_1147 : vector<16xf32> to vector<1x16xf32>
        tpu.vector_store %arg11[%swap3A_1148, %swap3A_1149], %swap3A_1152 {strides = array<i32>} : memref<128x128xf32, #tpu.memory_space<vmem>>, vector<1x16xf32>,
        %get3A_1153 = arith.index_cast %add3A_1079 : i32 to index
        %get3A_1154 = arith.constant 112 : index
        %get3A_1155 = tpu.vector_load %arg11[%get3A_1153, %get3A_1154] {strides = array<i32>} : memref<128x128xf32, #tpu.memory_space<vmem>>, vector<1x16xf32>,
        %get3A_1156 = vector.shape_cast %get3A_1155 : vector<1x16xf32> to vector<16xf32>
        %mul3A_1157 = arith.mulf %get3A_1156, %broadcast_in_dim3A_1082 : vector<16xf32>
        %swap3A_1158 = arith.index_cast %add3A_1079 : i32 to index
        %swap3A_1159 = arith.constant 112 : index
        %swap3A_1160 = tpu.vector_load %arg11[%swap3A_1158, %swap3A_1159] {strides = array<i32>} : memref<128x128xf32, #tpu.memory_space<vmem>>, vector<1x16xf32>,
        %swap3A_1161 = vector.shape_cast %swap3A_1160 : vector<1x16xf32> to vector<16xf32>
        %swap3A_1162 = vector.shape_cast %mul3A_1157 : vector<16xf32> to vector<1x16xf32>
        tpu.vector_store %arg11[%swap3A_1158, %swap3A_1159], %swap3A_1162 {strides = array<i32>} : memref<128x128xf32, #tpu.memory_space<vmem>>, vector<1x16xf32>,
        %mul3A_1163 = arith.constant 16 : i32
        %mul3A_1164 = arith.muli %scan3A_30, %mul3A_1163 : i32
        %add3A_1165 = arith.constant 13 : i32
        %add3A_1166 = arith.addi %mul3A_1164, %add3A_1165 : i32
        %slice3A_1167 = vector.extract_strided_slice %get3A_35 {offsets = [13], sizes = [1], strides = [1]} : vector<16xf32> to vector<1xf32>
        %squeeze3A_1168 = vector.extract %slice3A_1167[0] : f32 from vector<1xf32>
        %broadcast_in_dim3A_1169 = vector.broadcast %squeeze3A_1168 : f32 to vector<16xf32>
        %get3A_1170 = arith.index_cast %add3A_1166 : i32 to index
        %get3A_1171 = arith.constant 0 : index
        %get3A_1172 = tpu.vector_load %arg11[%get3A_1170, %get3A_1171] {strides = array<i32>} : memref<128x128xf32, #tpu.memory_space<vmem>>, vector<1x16xf32>,
        %get3A_1173 = vector.shape_cast %get3A_1172 : vector<1x16xf32> to vector<16xf32>
        %mul3A_1174 = arith.mulf %get3A_1173, %broadcast_in_dim3A_1169 : vector<16xf32>
        %swap3A_1175 = arith.index_cast %add3A_1166 : i32 to index
        %swap3A_1176 = arith.constant 0 : index
        %swap3A_1177 = tpu.vector_load %arg11[%swap3A_1175, %swap3A_1176] {strides = array<i32>} : memref<128x128xf32, #tpu.memory_space<vmem>>, vector<1x16xf32>,
        %swap3A_1178 = vector.shape_cast %swap3A_1177 : vector<1x16xf32> to vector<16xf32>
        %swap3A_1179 = vector.shape_cast %mul3A_1174 : vector<16xf32> to vector<1x16xf32>
        tpu.vector_store %arg11[%swap3A_1175, %swap3A_1176], %swap3A_1179 {strides = array<i32>} : memref<128x128xf32, #tpu.memory_space<vmem>>, vector<1x16xf32>,
        %get3A_1180 = arith.index_cast %add3A_1166 : i32 to index
        %get3A_1181 = arith.constant 16 : index
        %get3A_1182 = tpu.vector_load %arg11[%get3A_1180, %get3A_1181] {strides = array<i32>} : memref<128x128xf32, #tpu.memory_space<vmem>>, vector<1x16xf32>,
        %get3A_1183 = vector.shape_cast %get3A_1182 : vector<1x16xf32> to vector<16xf32>
        %mul3A_1184 = arith.mulf %get3A_1183, %broadcast_in_dim3A_1169 : vector<16xf32>
        %swap3A_1185 = arith.index_cast %add3A_1166 : i32 to index
        %swap3A_1186 = arith.constant 16 : index
        %swap3A_1187 = tpu.vector_load %arg11[%swap3A_1185, %swap3A_1186] {strides = array<i32>} : memref<128x128xf32, #tpu.memory_space<vmem>>, vector<1x16xf32>,
        %swap3A_1188 = vector.shape_cast %swap3A_1187 : vector<1x16xf32> to vector<16xf32>
        %swap3A_1189 = vector.shape_cast %mul3A_1184 : vector<16xf32> to vector<1x16xf32>
        tpu.vector_store %arg11[%swap3A_1185, %swap3A_1186], %swap3A_1189 {strides = array<i32>} : memref<128x128xf32, #tpu.memory_space<vmem>>, vector<1x16xf32>,
        %get3A_1190 = arith.index_cast %add3A_1166 : i32 to index
        %get3A_1191 = arith.constant 32 : index
        %get3A_1192 = tpu.vector_load %arg11[%get3A_1190, %get3A_1191] {strides = array<i32>} : memref<128x128xf32, #tpu.memory_space<vmem>>, vector<1x16xf32>,
        %get3A_1193 = vector.shape_cast %get3A_1192 : vector<1x16xf32> to vector<16xf32>
        %mul3A_1194 = arith.mulf %get3A_1193, %broadcast_in_dim3A_1169 : vector<16xf32>
        %swap3A_1195 = arith.index_cast %add3A_1166 : i32 to index
        %swap3A_1196 = arith.constant 32 : index
        %swap3A_1197 = tpu.vector_load %arg11[%swap3A_1195, %swap3A_1196] {strides = array<i32>} : memref<128x128xf32, #tpu.memory_space<vmem>>, vector<1x16xf32>,
        %swap3A_1198 = vector.shape_cast %swap3A_1197 : vector<1x16xf32> to vector<16xf32>
        %swap3A_1199 = vector.shape_cast %mul3A_1194 : vector<16xf32> to vector<1x16xf32>
        tpu.vector_store %arg11[%swap3A_1195, %swap3A_1196], %swap3A_1199 {strides = array<i32>} : memref<128x128xf32, #tpu.memory_space<vmem>>, vector<1x16xf32>,
        %get3A_1200 = arith.index_cast %add3A_1166 : i32 to index
        %get3A_1201 = arith.constant 48 : index
        %get3A_1202 = tpu.vector_load %arg11[%get3A_1200, %get3A_1201] {strides = array<i32>} : memref<128x128xf32, #tpu.memory_space<vmem>>, vector<1x16xf32>,
        %get3A_1203 = vector.shape_cast %get3A_1202 : vector<1x16xf32> to vector<16xf32>
        %mul3A_1204 = arith.mulf %get3A_1203, %broadcast_in_dim3A_1169 : vector<16xf32>
        %swap3A_1205 = arith.index_cast %add3A_1166 : i32 to index
        %swap3A_1206 = arith.constant 48 : index
        %swap3A_1207 = tpu.vector_load %arg11[%swap3A_1205, %swap3A_1206] {strides = array<i32>} : memref<128x128xf32, #tpu.memory_space<vmem>>, vector<1x16xf32>,
        %swap3A_1208 = vector.shape_cast %swap3A_1207 : vector<1x16xf32> to vector<16xf32>
        %swap3A_1209 = vector.shape_cast %mul3A_1204 : vector<16xf32> to vector<1x16xf32>
        tpu.vector_store %arg11[%swap3A_1205, %swap3A_1206], %swap3A_1209 {strides = array<i32>} : memref<128x128xf32, #tpu.memory_space<vmem>>, vector<1x16xf32>,
        %get3A_1210 = arith.index_cast %add3A_1166 : i32 to index
        %get3A_1211 = arith.constant 64 : index
        %get3A_1212 = tpu.vector_load %arg11[%get3A_1210, %get3A_1211] {strides = array<i32>} : memref<128x128xf32, #tpu.memory_space<vmem>>, vector<1x16xf32>,
        %get3A_1213 = vector.shape_cast %get3A_1212 : vector<1x16xf32> to vector<16xf32>
        %mul3A_1214 = arith.mulf %get3A_1213, %broadcast_in_dim3A_1169 : vector<16xf32>
        %swap3A_1215 = arith.index_cast %add3A_1166 : i32 to index
        %swap3A_1216 = arith.constant 64 : index
        %swap3A_1217 = tpu.vector_load %arg11[%swap3A_1215, %swap3A_1216] {strides = array<i32>} : memref<128x128xf32, #tpu.memory_space<vmem>>, vector<1x16xf32>,
        %swap3A_1218 = vector.shape_cast %swap3A_1217 : vector<1x16xf32> to vector<16xf32>
        %swap3A_1219 = vector.shape_cast %mul3A_1214 : vector<16xf32> to vector<1x16xf32>
        tpu.vector_store %arg11[%swap3A_1215, %swap3A_1216], %swap3A_1219 {strides = array<i32>} : memref<128x128xf32, #tpu.memory_space<vmem>>, vector<1x16xf32>,
        %get3A_1220 = arith.index_cast %add3A_1166 : i32 to index
        %get3A_1221 = arith.constant 80 : index
        %get3A_1222 = tpu.vector_load %arg11[%get3A_1220, %get3A_1221] {strides = array<i32>} : memref<128x128xf32, #tpu.memory_space<vmem>>, vector<1x16xf32>,
        %get3A_1223 = vector.shape_cast %get3A_1222 : vector<1x16xf32> to vector<16xf32>
        %mul3A_1224 = arith.mulf %get3A_1223, %broadcast_in_dim3A_1169 : vector<16xf32>
        %swap3A_1225 = arith.index_cast %add3A_1166 : i32 to index
        %swap3A_1226 = arith.constant 80 : index
        %swap3A_1227 = tpu.vector_load %arg11[%swap3A_1225, %swap3A_1226] {strides = array<i32>} : memref<128x128xf32, #tpu.memory_space<vmem>>, vector<1x16xf32>,
        %swap3A_1228 = vector.shape_cast %swap3A_1227 : vector<1x16xf32> to vector<16xf32>
        %swap3A_1229 = vector.shape_cast %mul3A_1224 : vector<16xf32> to vector<1x16xf32>
        tpu.vector_store %arg11[%swap3A_1225, %swap3A_1226], %swap3A_1229 {strides = array<i32>} : memref<128x128xf32, #tpu.memory_space<vmem>>, vector<1x16xf32>,
        %get3A_1230 = arith.index_cast %add3A_1166 : i32 to index
        %get3A_1231 = arith.constant 96 : index
        %get3A_1232 = tpu.vector_load %arg11[%get3A_1230, %get3A_1231] {strides = array<i32>} : memref<128x128xf32, #tpu.memory_space<vmem>>, vector<1x16xf32>,
        %get3A_1233 = vector.shape_cast %get3A_1232 : vector<1x16xf32> to vector<16xf32>
        %mul3A_1234 = arith.mulf %get3A_1233, %broadcast_in_dim3A_1169 : vector<16xf32>
        %swap3A_1235 = arith.index_cast %add3A_1166 : i32 to index
        %swap3A_1236 = arith.constant 96 : index
        %swap3A_1237 = tpu.vector_load %arg11[%swap3A_1235, %swap3A_1236] {strides = array<i32>} : memref<128x128xf32, #tpu.memory_space<vmem>>, vector<1x16xf32>,
        %swap3A_1238 = vector.shape_cast %swap3A_1237 : vector<1x16xf32> to vector<16xf32>
        %swap3A_1239 = vector.shape_cast %mul3A_1234 : vector<16xf32> to vector<1x16xf32>
        tpu.vector_store %arg11[%swap3A_1235, %swap3A_1236], %swap3A_1239 {strides = array<i32>} : memref<128x128xf32, #tpu.memory_space<vmem>>, vector<1x16xf32>,
        %get3A_1240 = arith.index_cast %add3A_1166 : i32 to index
        %get3A_1241 = arith.constant 112 : index
        %get3A_1242 = tpu.vector_load %arg11[%get3A_1240, %get3A_1241] {strides = array<i32>} : memref<128x128xf32, #tpu.memory_space<vmem>>, vector<1x16xf32>,
        %get3A_1243 = vector.shape_cast %get3A_1242 : vector<1x16xf32> to vector<16xf32>
        %mul3A_1244 = arith.mulf %get3A_1243, %broadcast_in_dim3A_1169 : vector<16xf32>
        %swap3A_1245 = arith.index_cast %add3A_1166 : i32 to index
        %swap3A_1246 = arith.constant 112 : index
        %swap3A_1247 = tpu.vector_load %arg11[%swap3A_1245, %swap3A_1246] {strides = array<i32>} : memref<128x128xf32, #tpu.memory_space<vmem>>, vector<1x16xf32>,
        %swap3A_1248 = vector.shape_cast %swap3A_1247 : vector<1x16xf32> to vector<16xf32>
        %swap3A_1249 = vector.shape_cast %mul3A_1244 : vector<16xf32> to vector<1x16xf32>
        tpu.vector_store %arg11[%swap3A_1245, %swap3A_1246], %swap3A_1249 {strides = array<i32>} : memref<128x128xf32, #tpu.memory_space<vmem>>, vector<1x16xf32>,
        %mul3A_1250 = arith.constant 16 : i32
        %mul3A_1251 = arith.muli %scan3A_30, %mul3A_1250 : i32
        %add3A_1252 = arith.constant 14 : i32
        %add3A_1253 = arith.addi %mul3A_1251, %add3A_1252 : i32
        %slice3A_1254 = vector.extract_strided_slice %get3A_35 {offsets = [14], sizes = [1], strides = [1]} : vector<16xf32> to vector<1xf32>
        %squeeze3A_1255 = vector.extract %slice3A_1254[0] : f32 from vector<1xf32>
        %broadcast_in_dim3A_1256 = vector.broadcast %squeeze3A_1255 : f32 to vector<16xf32>
        %get3A_1257 = arith.index_cast %add3A_1253 : i32 to index
        %get3A_1258 = arith.constant 0 : index
        %get3A_1259 = tpu.vector_load %arg11[%get3A_1257, %get3A_1258] {strides = array<i32>} : memref<128x128xf32, #tpu.memory_space<vmem>>, vector<1x16xf32>,
        %get3A_1260 = vector.shape_cast %get3A_1259 : vector<1x16xf32> to vector<16xf32>
        %mul3A_1261 = arith.mulf %get3A_1260, %broadcast_in_dim3A_1256 : vector<16xf32>
        %swap3A_1262 = arith.index_cast %add3A_1253 : i32 to index
        %swap3A_1263 = arith.constant 0 : index
        %swap3A_1264 = tpu.vector_load %arg11[%swap3A_1262, %swap3A_1263] {strides = array<i32>} : memref<128x128xf32, #tpu.memory_space<vmem>>, vector<1x16xf32>,
        %swap3A_1265 = vector.shape_cast %swap3A_1264 : vector<1x16xf32> to vector<16xf32>
        %swap3A_1266 = vector.shape_cast %mul3A_1261 : vector<16xf32> to vector<1x16xf32>
        tpu.vector_store %arg11[%swap3A_1262, %swap3A_1263], %swap3A_1266 {strides = array<i32>} : memref<128x128xf32, #tpu.memory_space<vmem>>, vector<1x16xf32>,
        %get3A_1267 = arith.index_cast %add3A_1253 : i32 to index
        %get3A_1268 = arith.constant 16 : index
        %get3A_1269 = tpu.vector_load %arg11[%get3A_1267, %get3A_1268] {strides = array<i32>} : memref<128x128xf32, #tpu.memory_space<vmem>>, vector<1x16xf32>,
        %get3A_1270 = vector.shape_cast %get3A_1269 : vector<1x16xf32> to vector<16xf32>
        %mul3A_1271 = arith.mulf %get3A_1270, %broadcast_in_dim3A_1256 : vector<16xf32>
        %swap3A_1272 = arith.index_cast %add3A_1253 : i32 to index
        %swap3A_1273 = arith.constant 16 : index
        %swap3A_1274 = tpu.vector_load %arg11[%swap3A_1272, %swap3A_1273] {strides = array<i32>} : memref<128x128xf32, #tpu.memory_space<vmem>>, vector<1x16xf32>,
        %swap3A_1275 = vector.shape_cast %swap3A_1274 : vector<1x16xf32> to vector<16xf32>
        %swap3A_1276 = vector.shape_cast %mul3A_1271 : vector<16xf32> to vector<1x16xf32>
        tpu.vector_store %arg11[%swap3A_1272, %swap3A_1273], %swap3A_1276 {strides = array<i32>} : memref<128x128xf32, #tpu.memory_space<vmem>>, vector<1x16xf32>,
        %get3A_1277 = arith.index_cast %add3A_1253 : i32 to index
        %get3A_1278 = arith.constant 32 : index
        %get3A_1279 = tpu.vector_load %arg11[%get3A_1277, %get3A_1278] {strides = array<i32>} : memref<128x128xf32, #tpu.memory_space<vmem>>, vector<1x16xf32>,
        %get3A_1280 = vector.shape_cast %get3A_1279 : vector<1x16xf32> to vector<16xf32>
        %mul3A_1281 = arith.mulf %get3A_1280, %broadcast_in_dim3A_1256 : vector<16xf32>
        %swap3A_1282 = arith.index_cast %add3A_1253 : i32 to index
        %swap3A_1283 = arith.constant 32 : index
        %swap3A_1284 = tpu.vector_load %arg11[%swap3A_1282, %swap3A_1283] {strides = array<i32>} : memref<128x128xf32, #tpu.memory_space<vmem>>, vector<1x16xf32>,
        %swap3A_1285 = vector.shape_cast %swap3A_1284 : vector<1x16xf32> to vector<16xf32>
        %swap3A_1286 = vector.shape_cast %mul3A_1281 : vector<16xf32> to vector<1x16xf32>
        tpu.vector_store %arg11[%swap3A_1282, %swap3A_1283], %swap3A_1286 {strides = array<i32>} : memref<128x128xf32, #tpu.memory_space<vmem>>, vector<1x16xf32>,
        %get3A_1287 = arith.index_cast %add3A_1253 : i32 to index
        %get3A_1288 = arith.constant 48 : index
        %get3A_1289 = tpu.vector_load %arg11[%get3A_1287, %get3A_1288] {strides = array<i32>} : memref<128x128xf32, #tpu.memory_space<vmem>>, vector<1x16xf32>,
        %get3A_1290 = vector.shape_cast %get3A_1289 : vector<1x16xf32> to vector<16xf32>
        %mul3A_1291 = arith.mulf %get3A_1290, %broadcast_in_dim3A_1256 : vector<16xf32>
        %swap3A_1292 = arith.index_cast %add3A_1253 : i32 to index
        %swap3A_1293 = arith.constant 48 : index
        %swap3A_1294 = tpu.vector_load %arg11[%swap3A_1292, %swap3A_1293] {strides = array<i32>} : memref<128x128xf32, #tpu.memory_space<vmem>>, vector<1x16xf32>,
        %swap3A_1295 = vector.shape_cast %swap3A_1294 : vector<1x16xf32> to vector<16xf32>
        %swap3A_1296 = vector.shape_cast %mul3A_1291 : vector<16xf32> to vector<1x16xf32>
        tpu.vector_store %arg11[%swap3A_1292, %swap3A_1293], %swap3A_1296 {strides = array<i32>} : memref<128x128xf32, #tpu.memory_space<vmem>>, vector<1x16xf32>,
        %get3A_1297 = arith.index_cast %add3A_1253 : i32 to index
        %get3A_1298 = arith.constant 64 : index
        %get3A_1299 = tpu.vector_load %arg11[%get3A_1297, %get3A_1298] {strides = array<i32>} : memref<128x128xf32, #tpu.memory_space<vmem>>, vector<1x16xf32>,
        %get3A_1300 = vector.shape_cast %get3A_1299 : vector<1x16xf32> to vector<16xf32>
        %mul3A_1301 = arith.mulf %get3A_1300, %broadcast_in_dim3A_1256 : vector<16xf32>
        %swap3A_1302 = arith.index_cast %add3A_1253 : i32 to index
        %swap3A_1303 = arith.constant 64 : index
        %swap3A_1304 = tpu.vector_load %arg11[%swap3A_1302, %swap3A_1303] {strides = array<i32>} : memref<128x128xf32, #tpu.memory_space<vmem>>, vector<1x16xf32>,
        %swap3A_1305 = vector.shape_cast %swap3A_1304 : vector<1x16xf32> to vector<16xf32>
        %swap3A_1306 = vector.shape_cast %mul3A_1301 : vector<16xf32> to vector<1x16xf32>
        tpu.vector_store %arg11[%swap3A_1302, %swap3A_1303], %swap3A_1306 {strides = array<i32>} : memref<128x128xf32, #tpu.memory_space<vmem>>, vector<1x16xf32>,
        %get3A_1307 = arith.index_cast %add3A_1253 : i32 to index
        %get3A_1308 = arith.constant 80 : index
        %get3A_1309 = tpu.vector_load %arg11[%get3A_1307, %get3A_1308] {strides = array<i32>} : memref<128x128xf32, #tpu.memory_space<vmem>>, vector<1x16xf32>,
        %get3A_1310 = vector.shape_cast %get3A_1309 : vector<1x16xf32> to vector<16xf32>
        %mul3A_1311 = arith.mulf %get3A_1310, %broadcast_in_dim3A_1256 : vector<16xf32>
        %swap3A_1312 = arith.index_cast %add3A_1253 : i32 to index
        %swap3A_1313 = arith.constant 80 : index
        %swap3A_1314 = tpu.vector_load %arg11[%swap3A_1312, %swap3A_1313] {strides = array<i32>} : memref<128x128xf32, #tpu.memory_space<vmem>>, vector<1x16xf32>,
        %swap3A_1315 = vector.shape_cast %swap3A_1314 : vector<1x16xf32> to vector<16xf32>
        %swap3A_1316 = vector.shape_cast %mul3A_1311 : vector<16xf32> to vector<1x16xf32>
        tpu.vector_store %arg11[%swap3A_1312, %swap3A_1313], %swap3A_1316 {strides = array<i32>} : memref<128x128xf32, #tpu.memory_space<vmem>>, vector<1x16xf32>,
        %get3A_1317 = arith.index_cast %add3A_1253 : i32 to index
        %get3A_1318 = arith.constant 96 : index
        %get3A_1319 = tpu.vector_load %arg11[%get3A_1317, %get3A_1318] {strides = array<i32>} : memref<128x128xf32, #tpu.memory_space<vmem>>, vector<1x16xf32>,
        %get3A_1320 = vector.shape_cast %get3A_1319 : vector<1x16xf32> to vector<16xf32>
        %mul3A_1321 = arith.mulf %get3A_1320, %broadcast_in_dim3A_1256 : vector<16xf32>
        %swap3A_1322 = arith.index_cast %add3A_1253 : i32 to index
        %swap3A_1323 = arith.constant 96 : index
        %swap3A_1324 = tpu.vector_load %arg11[%swap3A_1322, %swap3A_1323] {strides = array<i32>} : memref<128x128xf32, #tpu.memory_space<vmem>>, vector<1x16xf32>,
        %swap3A_1325 = vector.shape_cast %swap3A_1324 : vector<1x16xf32> to vector<16xf32>
        %swap3A_1326 = vector.shape_cast %mul3A_1321 : vector<16xf32> to vector<1x16xf32>
        tpu.vector_store %arg11[%swap3A_1322, %swap3A_1323], %swap3A_1326 {strides = array<i32>} : memref<128x128xf32, #tpu.memory_space<vmem>>, vector<1x16xf32>,
        %get3A_1327 = arith.index_cast %add3A_1253 : i32 to index
        %get3A_1328 = arith.constant 112 : index
        %get3A_1329 = tpu.vector_load %arg11[%get3A_1327, %get3A_1328] {strides = array<i32>} : memref<128x128xf32, #tpu.memory_space<vmem>>, vector<1x16xf32>,
        %get3A_1330 = vector.shape_cast %get3A_1329 : vector<1x16xf32> to vector<16xf32>
        %mul3A_1331 = arith.mulf %get3A_1330, %broadcast_in_dim3A_1256 : vector<16xf32>
        %swap3A_1332 = arith.index_cast %add3A_1253 : i32 to index
        %swap3A_1333 = arith.constant 112 : index
        %swap3A_1334 = tpu.vector_load %arg11[%swap3A_1332, %swap3A_1333] {strides = array<i32>} : memref<128x128xf32, #tpu.memory_space<vmem>>, vector<1x16xf32>,
        %swap3A_1335 = vector.shape_cast %swap3A_1334 : vector<1x16xf32> to vector<16xf32>
        %swap3A_1336 = vector.shape_cast %mul3A_1331 : vector<16xf32> to vector<1x16xf32>
        tpu.vector_store %arg11[%swap3A_1332, %swap3A_1333], %swap3A_1336 {strides = array<i32>} : memref<128x128xf32, #tpu.memory_space<vmem>>, vector<1x16xf32>,
        %mul3A_1337 = arith.constant 16 : i32
        %mul3A_1338 = arith.muli %scan3A_30, %mul3A_1337 : i32
        %add3A_1339 = arith.constant 15 : i32
        %add3A_1340 = arith.addi %mul3A_1338, %add3A_1339 : i32
        %slice3A_1341 = vector.extract_strided_slice %get3A_35 {offsets = [15], sizes = [1], strides = [1]} : vector<16xf32> to vector<1xf32>
        %squeeze3A_1342 = vector.extract %slice3A_1341[0] : f32 from vector<1xf32>
        %broadcast_in_dim3A_1343 = vector.broadcast %squeeze3A_1342 : f32 to vector<16xf32>
        %get3A_1344 = arith.index_cast %add3A_1340 : i32 to index
        %get3A_1345 = arith.constant 0 : index
        %get3A_1346 = tpu.vector_load %arg11[%get3A_1344, %get3A_1345] {strides = array<i32>} : memref<128x128xf32, #tpu.memory_space<vmem>>, vector<1x16xf32>,
        %get3A_1347 = vector.shape_cast %get3A_1346 : vector<1x16xf32> to vector<16xf32>
        %mul3A_1348 = arith.mulf %get3A_1347, %broadcast_in_dim3A_1343 : vector<16xf32>
        %swap3A_1349 = arith.index_cast %add3A_1340 : i32 to index
        %swap3A_1350 = arith.constant 0 : index
        %swap3A_1351 = tpu.vector_load %arg11[%swap3A_1349, %swap3A_1350] {strides = array<i32>} : memref<128x128xf32, #tpu.memory_space<vmem>>, vector<1x16xf32>,
        %swap3A_1352 = vector.shape_cast %swap3A_1351 : vector<1x16xf32> to vector<16xf32>
        %swap3A_1353 = vector.shape_cast %mul3A_1348 : vector<16xf32> to vector<1x16xf32>
        tpu.vector_store %arg11[%swap3A_1349, %swap3A_1350], %swap3A_1353 {strides = array<i32>} : memref<128x128xf32, #tpu.memory_space<vmem>>, vector<1x16xf32>,
        %get3A_1354 = arith.index_cast %add3A_1340 : i32 to index
        %get3A_1355 = arith.constant 16 : index
        %get3A_1356 = tpu.vector_load %arg11[%get3A_1354, %get3A_1355] {strides = array<i32>} : memref<128x128xf32, #tpu.memory_space<vmem>>, vector<1x16xf32>,
        %get3A_1357 = vector.shape_cast %get3A_1356 : vector<1x16xf32> to vector<16xf32>
        %mul3A_1358 = arith.mulf %get3A_1357, %broadcast_in_dim3A_1343 : vector<16xf32>
        %swap3A_1359 = arith.index_cast %add3A_1340 : i32 to index
        %swap3A_1360 = arith.constant 16 : index
        %swap3A_1361 = tpu.vector_load %arg11[%swap3A_1359, %swap3A_1360] {strides = array<i32>} : memref<128x128xf32, #tpu.memory_space<vmem>>, vector<1x16xf32>,
        %swap3A_1362 = vector.shape_cast %swap3A_1361 : vector<1x16xf32> to vector<16xf32>
        %swap3A_1363 = vector.shape_cast %mul3A_1358 : vector<16xf32> to vector<1x16xf32>
        tpu.vector_store %arg11[%swap3A_1359, %swap3A_1360], %swap3A_1363 {strides = array<i32>} : memref<128x128xf32, #tpu.memory_space<vmem>>, vector<1x16xf32>,
        %get3A_1364 = arith.index_cast %add3A_1340 : i32 to index
        %get3A_1365 = arith.constant 32 : index
        %get3A_1366 = tpu.vector_load %arg11[%get3A_1364, %get3A_1365] {strides = array<i32>} : memref<128x128xf32, #tpu.memory_space<vmem>>, vector<1x16xf32>,
        %get3A_1367 = vector.shape_cast %get3A_1366 : vector<1x16xf32> to vector<16xf32>
        %mul3A_1368 = arith.mulf %get3A_1367, %broadcast_in_dim3A_1343 : vector<16xf32>
        %swap3A_1369 = arith.index_cast %add3A_1340 : i32 to index
        %swap3A_1370 = arith.constant 32 : index
        %swap3A_1371 = tpu.vector_load %arg11[%swap3A_1369, %swap3A_1370] {strides = array<i32>} : memref<128x128xf32, #tpu.memory_space<vmem>>, vector<1x16xf32>,
        %swap3A_1372 = vector.shape_cast %swap3A_1371 : vector<1x16xf32> to vector<16xf32>
        %swap3A_1373 = vector.shape_cast %mul3A_1368 : vector<16xf32> to vector<1x16xf32>
        tpu.vector_store %arg11[%swap3A_1369, %swap3A_1370], %swap3A_1373 {strides = array<i32>} : memref<128x128xf32, #tpu.memory_space<vmem>>, vector<1x16xf32>,
        %get3A_1374 = arith.index_cast %add3A_1340 : i32 to index
        %get3A_1375 = arith.constant 48 : index
        %get3A_1376 = tpu.vector_load %arg11[%get3A_1374, %get3A_1375] {strides = array<i32>} : memref<128x128xf32, #tpu.memory_space<vmem>>, vector<1x16xf32>,
        %get3A_1377 = vector.shape_cast %get3A_1376 : vector<1x16xf32> to vector<16xf32>
        %mul3A_1378 = arith.mulf %get3A_1377, %broadcast_in_dim3A_1343 : vector<16xf32>
        %swap3A_1379 = arith.index_cast %add3A_1340 : i32 to index
        %swap3A_1380 = arith.constant 48 : index
        %swap3A_1381 = tpu.vector_load %arg11[%swap3A_1379, %swap3A_1380] {strides = array<i32>} : memref<128x128xf32, #tpu.memory_space<vmem>>, vector<1x16xf32>,
        %swap3A_1382 = vector.shape_cast %swap3A_1381 : vector<1x16xf32> to vector<16xf32>
        %swap3A_1383 = vector.shape_cast %mul3A_1378 : vector<16xf32> to vector<1x16xf32>
        tpu.vector_store %arg11[%swap3A_1379, %swap3A_1380], %swap3A_1383 {strides = array<i32>} : memref<128x128xf32, #tpu.memory_space<vmem>>, vector<1x16xf32>,
        %get3A_1384 = arith.index_cast %add3A_1340 : i32 to index
        %get3A_1385 = arith.constant 64 : index
        %get3A_1386 = tpu.vector_load %arg11[%get3A_1384, %get3A_1385] {strides = array<i32>} : memref<128x128xf32, #tpu.memory_space<vmem>>, vector<1x16xf32>,
        %get3A_1387 = vector.shape_cast %get3A_1386 : vector<1x16xf32> to vector<16xf32>
        %mul3A_1388 = arith.mulf %get3A_1387, %broadcast_in_dim3A_1343 : vector<16xf32>
        %swap3A_1389 = arith.index_cast %add3A_1340 : i32 to index
        %swap3A_1390 = arith.constant 64 : index
        %swap3A_1391 = tpu.vector_load %arg11[%swap3A_1389, %swap3A_1390] {strides = array<i32>} : memref<128x128xf32, #tpu.memory_space<vmem>>, vector<1x16xf32>,
        %swap3A_1392 = vector.shape_cast %swap3A_1391 : vector<1x16xf32> to vector<16xf32>
        %swap3A_1393 = vector.shape_cast %mul3A_1388 : vector<16xf32> to vector<1x16xf32>
        tpu.vector_store %arg11[%swap3A_1389, %swap3A_1390], %swap3A_1393 {strides = array<i32>} : memref<128x128xf32, #tpu.memory_space<vmem>>, vector<1x16xf32>,
        %get3A_1394 = arith.index_cast %add3A_1340 : i32 to index
        %get3A_1395 = arith.constant 80 : index
        %get3A_1396 = tpu.vector_load %arg11[%get3A_1394, %get3A_1395] {strides = array<i32>} : memref<128x128xf32, #tpu.memory_space<vmem>>, vector<1x16xf32>,
        %get3A_1397 = vector.shape_cast %get3A_1396 : vector<1x16xf32> to vector<16xf32>
        %mul3A_1398 = arith.mulf %get3A_1397, %broadcast_in_dim3A_1343 : vector<16xf32>
        %swap3A_1399 = arith.index_cast %add3A_1340 : i32 to index
        %swap3A_1400 = arith.constant 80 : index
        %swap3A_1401 = tpu.vector_load %arg11[%swap3A_1399, %swap3A_1400] {strides = array<i32>} : memref<128x128xf32, #tpu.memory_space<vmem>>, vector<1x16xf32>,
        %swap3A_1402 = vector.shape_cast %swap3A_1401 : vector<1x16xf32> to vector<16xf32>
        %swap3A_1403 = vector.shape_cast %mul3A_1398 : vector<16xf32> to vector<1x16xf32>
        tpu.vector_store %arg11[%swap3A_1399, %swap3A_1400], %swap3A_1403 {strides = array<i32>} : memref<128x128xf32, #tpu.memory_space<vmem>>, vector<1x16xf32>,
        %get3A_1404 = arith.index_cast %add3A_1340 : i32 to index
        %get3A_1405 = arith.constant 96 : index
        %get3A_1406 = tpu.vector_load %arg11[%get3A_1404, %get3A_1405] {strides = array<i32>} : memref<128x128xf32, #tpu.memory_space<vmem>>, vector<1x16xf32>,
        %get3A_1407 = vector.shape_cast %get3A_1406 : vector<1x16xf32> to vector<16xf32>
        %mul3A_1408 = arith.mulf %get3A_1407, %broadcast_in_dim3A_1343 : vector<16xf32>
        %swap3A_1409 = arith.index_cast %add3A_1340 : i32 to index
        %swap3A_1410 = arith.constant 96 : index
        %swap3A_1411 = tpu.vector_load %arg11[%swap3A_1409, %swap3A_1410] {strides = array<i32>} : memref<128x128xf32, #tpu.memory_space<vmem>>, vector<1x16xf32>,
        %swap3A_1412 = vector.shape_cast %swap3A_1411 : vector<1x16xf32> to vector<16xf32>
        %swap3A_1413 = vector.shape_cast %mul3A_1408 : vector<16xf32> to vector<1x16xf32>
        tpu.vector_store %arg11[%swap3A_1409, %swap3A_1410], %swap3A_1413 {strides = array<i32>} : memref<128x128xf32, #tpu.memory_space<vmem>>, vector<1x16xf32>,
        %get3A_1414 = arith.index_cast %add3A_1340 : i32 to index
        %get3A_1415 = arith.constant 112 : index
        %get3A_1416 = tpu.vector_load %arg11[%get3A_1414, %get3A_1415] {strides = array<i32>} : memref<128x128xf32, #tpu.memory_space<vmem>>, vector<1x16xf32>,
        %get3A_1417 = vector.shape_cast %get3A_1416 : vector<1x16xf32> to vector<16xf32>
        %mul3A_1418 = arith.mulf %get3A_1417, %broadcast_in_dim3A_1343 : vector<16xf32>
        %swap3A_1419 = arith.index_cast %add3A_1340 : i32 to index
        %swap3A_1420 = arith.constant 112 : index
        %swap3A_1421 = tpu.vector_load %arg11[%swap3A_1419, %swap3A_1420] {strides = array<i32>} : memref<128x128xf32, #tpu.memory_space<vmem>>, vector<1x16xf32>,
        %swap3A_1422 = vector.shape_cast %swap3A_1421 : vector<1x16xf32> to vector<16xf32>
        %swap3A_1423 = vector.shape_cast %mul3A_1418 : vector<16xf32> to vector<1x16xf32>
        tpu.vector_store %arg11[%swap3A_1419, %swap3A_1420], %swap3A_1423 {strides = array<i32>} : memref<128x128xf32, #tpu.memory_space<vmem>>, vector<1x16xf32>,
      }
      %scan3A_29 = arith.constant 8 : i32
      "tpu.region"() ({
        %run_scoped3A = tpu.sem_alloc : memref<!tpu.dma_semaphore, #tpu.memory_space<semaphore_mem>>
        %dma_start3A_30 = arith.constant 0 : i32
        %dma_start3A_31 = tpu.memref_slice %arg9[%scan3A_13, %dma_start3A_30] : memref<79x128xi32, #tpu.memory_space<vmem>> -> memref<1x128xi32, #tpu.memory_space<vmem>>
        %dma_start3A_32 = tpu.memref_squeeze %dma_start3A_31 : memref<1x128xi32, #tpu.memory_space<vmem>> -> memref<128xi32, #tpu.memory_space<vmem>>
        %dma_start3A_33 = arith.constant 0 : i32
        %dma_start3A_34 = arith.constant 0 : i32
        %dma_start3A_35 = tpu.memref_slice %arg12[%dma_start3A_33, %dma_start3A_34] : memref<10112x128xf32, #tpu.memory_space<vmem_shared>> -> memref<10112x128xf32, #tpu.memory_space<vmem_shared>>
        tpu.enqueue_indirect_dma source(%arg11 : memref<128x128xf32, #tpu.memory_space<vmem>>) target(%dma_start3A_35 : memref<10112x128xf32, #tpu.memory_space<vmem_shared>>) offsets(%dma_start3A_32 : memref<128xi32, #tpu.memory_space<vmem>>) semaphore(%run_scoped3A : memref<!tpu.dma_semaphore, #tpu.memory_space<semaphore_mem>>) {add = true}
        %dma_wait3A_36 = arith.constant 0 : i32
        %dma_wait3A_37 = tpu.memref_slice %arg9[%scan3A_13, %dma_wait3A_36] : memref<79x128xi32, #tpu.memory_space<vmem>> -> memref<1x128xi32, #tpu.memory_space<vmem>>
        %dma_wait3A_38 = tpu.memref_squeeze %dma_wait3A_37 : memref<1x128xi32, #tpu.memory_space<vmem>> -> memref<128xi32, #tpu.memory_space<vmem>>
        %dma_wait3A_39 = arith.constant 0 : i32
        %dma_wait3A_40 = arith.constant 0 : i32
        %dma_wait3A_41 = tpu.memref_slice %arg12[%dma_wait3A_39, %dma_wait3A_40] : memref<10112x128xf32, #tpu.memory_space<vmem_shared>> -> memref<10112x128xf32, #tpu.memory_space<vmem_shared>>
        tpu.wait_indirect_dma semaphore(%run_scoped3A : memref<!tpu.dma_semaphore, #tpu.memory_space<semaphore_mem>>) src(%arg11 : memref<128x128xf32, #tpu.memory_space<vmem>>) dst(%dma_wait3A_41 : memref<10112x128xf32, #tpu.memory_space<vmem_shared>>)
        tpu.yield
      }) : () -> ()
    }
    %scan3A_7 = arith.constant 79 : i32
    %barrier3A_8 = arith.constant 0 : index
    tpu.barrier barrier_id(%barrier3A_8)
    %mul3A_9 = arith.constant 632 : i32
    %mul3A_10 = arith.muli %arg1, %mul3A_9 : i32
    %mul3A_11 = arith.constant 632 : i32
    %mul3A_12 = arith.muli %arg1, %mul3A_11 : i32
    "tpu.region"() ({
      %run_scoped3A = tpu.sem_alloc : memref<!tpu.dma_semaphore, #tpu.memory_space<semaphore_mem>>
      %dma_start3A = arith.constant 0 : i32
      %dma_start3A_13 = tpu.memref_slice %arg7[%arg0, %mul3A_12, %dma_start3A] : memref<2x10112x128xf32, #tpu.memory_space<hbm>> -> memref<1x632x128xf32, #tpu.memory_space<hbm>>
      %dma_start3A_14 = tpu.memref_squeeze %dma_start3A_13 : memref<1x632x128xf32, #tpu.memory_space<hbm>> -> memref<632x128xf32, #tpu.memory_space<hbm>>
      %dma_start3A_15 = arith.constant 0 : i32
      %dma_start3A_16 = tpu.memref_slice %arg12[%mul3A_10, %dma_start3A_15] : memref<10112x128xf32, #tpu.memory_space<vmem_shared>> -> memref<632x128xf32, #tpu.memory_space<vmem_shared>>
      tpu.enqueue_dma source(%dma_start3A_16 : memref<632x128xf32, #tpu.memory_space<vmem_shared>>) target(%dma_start3A_14 : memref<632x128xf32, #tpu.memory_space<hbm>>) target_semaphore(%run_scoped3A : memref<!tpu.dma_semaphore, #tpu.memory_space<semaphore_mem>>)
      %dma_wait3A = arith.constant 0 : i32
      %dma_wait3A_17 = tpu.memref_slice %arg7[%arg0, %mul3A_12, %dma_wait3A] : memref<2x10112x128xf32, #tpu.memory_space<hbm>> -> memref<1x632x128xf32, #tpu.memory_space<hbm>>
      %dma_wait3A_18 = tpu.memref_squeeze %dma_wait3A_17 : memref<1x632x128xf32, #tpu.memory_space<hbm>> -> memref<632x128xf32, #tpu.memory_space<hbm>>
      %dma_wait3A_19 = arith.constant 0 : i32
      %dma_wait3A_20 = tpu.memref_slice %arg12[%mul3A_10, %dma_wait3A_19] : memref<10112x128xf32, #tpu.memory_space<vmem_shared>> -> memref<632x128xf32, #tpu.memory_space<vmem_shared>>
      tpu.wait_dma2 semaphore(%run_scoped3A : memref<!tpu.dma_semaphore, #tpu.memory_space<semaphore_mem>>) src(%dma_wait3A_20 : memref<632x128xf32, #tpu.memory_space<vmem_shared>>) dst(%dma_wait3A_18 : memref<632x128xf32, #tpu.memory_space<hbm>>)
      tpu.yield
    }) : () -> ()
    return
  }
}

module attributes {stable_mosaic.version = 14 : i64} {
  func.func @_mm_body(%arg0: i32, %arg1: memref<1000x128xf32, #tpu.memory_space<vmem>>, %arg2: memref<128x128xf32, #tpu.memory_space<vmem>>, %arg3: memref<128x128xf32, #tpu.memory_space<vmem>>, %arg4: memref<128x128xf32, #tpu.memory_space<vmem>>, %arg5: memref<1x128xf32, #tpu.memory_space<vmem>>, %arg6: memref<1x128xf32, #tpu.memory_space<vmem>>, %arg7: memref<1x128xf32, #tpu.memory_space<vmem>>, %arg8: memref<1000x128xf32, #tpu.memory_space<vmem>>, %arg9: memref<1000x128xf32, #tpu.memory_space<vmem>>) attributes {dimension_semantics = [#tpu.dimension_semantics<arbitrary>], iteration_bounds = array<i64: 10>, scalar_prefetch = 0 : i64, scratch_operands = 0 : i64, tpu.core_type = #tpu.core_type<tc>, window_params = [{transform_indices = @transform_0, window_bounds = array<i64: 1000, 128>}, {pipeline_mode = #tpu.pipeline_mode<synchronous>, transform_indices = @transform_1, window_bounds = array<i64: 128, 128>}, {pipeline_mode = #tpu.pipeline_mode<synchronous>, transform_indices = @transform_2, window_bounds = array<i64: 128, 128>}, {pipeline_mode = #tpu.pipeline_mode<synchronous>, transform_indices = @transform_3, window_bounds = array<i64: 128, 128>}, {pipeline_mode = #tpu.pipeline_mode<synchronous>, transform_indices = @transform_4, window_bounds = array<i64: 1, 128>}, {pipeline_mode = #tpu.pipeline_mode<synchronous>, transform_indices = @transform_5, window_bounds = array<i64: 1, 128>}, {pipeline_mode = #tpu.pipeline_mode<synchronous>, transform_indices = @transform_6, window_bounds = array<i64: 1, 128>}, {transform_indices = @transform_7, window_bounds = array<i64: 1000, 128>}, {transform_indices = @transform_8, window_bounds = array<i64: 1000, 128>}]} {
    %get3A = arith.constant 0 : index
    %get3A_0 = arith.constant 0 : index
    %get3A_1 = vector.load %arg1[%get3A, %get3A_0] : memref<1000x128xf32, #tpu.memory_space<vmem>>, vector<1000x128xf32>
    %get3A_2 = arith.constant 0 : index
    %get3A_3 = arith.constant 0 : index
    %get3A_4 = vector.load %arg2[%get3A_2, %get3A_3] : memref<128x128xf32, #tpu.memory_space<vmem>>, vector<128x128xf32>
    %dot_general3A = arith.constant dense<0.000000e+00> : vector<1000x128xf32>
    %dot_general3A_5 = tpu.matmul %get3A_1, %get3A_4, %dot_general3A {dimension_numbers = #tpu.dot_dimension_numbers<[1], [0], [0], [1], [0, 0, 1, 1], [], []>, transpose_lhs_hint = false} : vector<1000x128xf32>, vector<128x128xf32>, vector<1000x128xf32> -> vector<1000x128xf32>
    %swap3A = arith.constant 0 : index
    %swap3A_6 = arith.constant 0 : index
    %swap3A_7 = vector.load %arg8[%swap3A, %swap3A_6] : memref<1000x128xf32, #tpu.memory_space<vmem>>, vector<1000x128xf32>
    tpu.vector_store %arg8[%swap3A, %swap3A_6], %dot_general3A_5 {strides = array<i32>} : memref<1000x128xf32, #tpu.memory_space<vmem>>, vector<1000x128xf32>,
    %get3A_8 = arith.constant 0 : index
    %get3A_9 = arith.constant 0 : index
    %get3A_10 = vector.load %arg4[%get3A_8, %get3A_9] : memref<128x128xf32, #tpu.memory_space<vmem>>, vector<128x128xf32>
    %get3A_11 = arith.constant 0 : index
    %get3A_12 = arith.constant 0 : index
    %get3A_13 = vector.load %arg3[%get3A_11, %get3A_12] : memref<128x128xf32, #tpu.memory_space<vmem>>, vector<128x128xf32>
    %sub3A = arith.subf %get3A_10, %get3A_13 : vector<128x128xf32>
    %mul3A = arith.constant 0.333333343 : f32
    %mul3A_14 = vector.broadcast %mul3A : f32 to vector<128x128xf32>
    %mul3A_15 = arith.mulf %sub3A, %mul3A_14 : vector<128x128xf32>
    %get3A_16 = arith.constant 0 : index
    %get3A_17 = arith.constant 0 : index
    %get3A_18 = vector.load %arg5[%get3A_16, %get3A_17] : memref<1x128xf32, #tpu.memory_space<vmem>>, vector<1x128xf32>
    %get3A_19 = arith.constant 0 : index
    %get3A_20 = arith.constant 0 : index
    %get3A_21 = vector.load %arg7[%get3A_19, %get3A_20] : memref<1x128xf32, #tpu.memory_space<vmem>>, vector<1x128xf32>
    %get3A_22 = arith.constant 0 : index
    %get3A_23 = arith.constant 0 : index
    %get3A_24 = vector.load %arg6[%get3A_22, %get3A_23] : memref<1x128xf32, #tpu.memory_space<vmem>>, vector<1x128xf32>
    %sub3A_25 = arith.subf %get3A_21, %get3A_24 : vector<1x128xf32>
    %mul3A_26 = arith.constant 0.333333343 : f32
    %mul3A_27 = vector.broadcast %mul3A_26 : f32 to vector<1x128xf32>
    %mul3A_28 = arith.mulf %sub3A_25, %mul3A_27 : vector<1x128xf32>
    %add3A = arith.addf %get3A_18, %mul3A_28 : vector<1x128xf32>
    %abs3A = math.absf %get3A_1 : vector<1000x128xf32>
    %dot_general3A_29 = arith.constant dense<0.000000e+00> : vector<1000x128xf32>
    %dot_general3A_30 = tpu.matmul %abs3A, %mul3A_15, %dot_general3A_29 {dimension_numbers = #tpu.dot_dimension_numbers<[1], [0], [0], [1], [0, 0, 1, 1], [], []>, transpose_lhs_hint = false} : vector<1000x128xf32>, vector<128x128xf32>, vector<1000x128xf32> -> vector<1000x128xf32>
    %add3A_31 = vector.broadcast %add3A : vector<1x128xf32> to vector<1000x128xf32>
    %add3A_32 = arith.addf %dot_general3A_30, %add3A_31 : vector<1000x128xf32>
    %swap3A_33 = arith.constant 0 : index
    %swap3A_34 = arith.constant 0 : index
    %swap3A_35 = vector.load %arg9[%swap3A_33, %swap3A_34] : memref<1000x128xf32, #tpu.memory_space<vmem>>, vector<1000x128xf32>
    tpu.vector_store %arg9[%swap3A_33, %swap3A_34], %add3A_32 {strides = array<i32>} : memref<1000x128xf32, #tpu.memory_space<vmem>>, vector<1000x128xf32>,
    return
  }
  func.func @transform_0(%arg0: i32) -> (i32, i32) {
    %c0_i32 = arith.constant 0 : i32
    %c0_i32_0 = arith.constant 0 : i32
    return %arg0, %c0_i32 : i32, i32
  }
  func.func @transform_1(%arg0: i32) -> (i32, i32) {
    %c0_i32 = arith.constant 0 : i32
    %c0_i32_0 = arith.constant 0 : i32
    %c0_i32_1 = arith.constant 0 : i32
    return %c0_i32, %c0_i32_0 : i32, i32
  }
  func.func @transform_2(%arg0: i32) -> (i32, i32) {
    %c0_i32 = arith.constant 0 : i32
    %c0_i32_0 = arith.constant 0 : i32
    %c0_i32_1 = arith.constant 0 : i32
    return %c0_i32, %c0_i32_0 : i32, i32
  }
  func.func @transform_3(%arg0: i32) -> (i32, i32) {
    %c0_i32 = arith.constant 0 : i32
    %c0_i32_0 = arith.constant 0 : i32
    %c0_i32_1 = arith.constant 0 : i32
    return %c0_i32, %c0_i32_0 : i32, i32
  }
  func.func @transform_4(%arg0: i32) -> (i32, i32) {
    %c0_i32 = arith.constant 0 : i32
    %c0_i32_0 = arith.constant 0 : i32
    %c0_i32_1 = arith.constant 0 : i32
    return %c0_i32, %c0_i32_0 : i32, i32
  }
  func.func @transform_5(%arg0: i32) -> (i32, i32) {
    %c0_i32 = arith.constant 0 : i32
    %c0_i32_0 = arith.constant 0 : i32
    %c0_i32_1 = arith.constant 0 : i32
    return %c0_i32, %c0_i32_0 : i32, i32
  }
  func.func @transform_6(%arg0: i32) -> (i32, i32) {
    %c0_i32 = arith.constant 0 : i32
    %c0_i32_0 = arith.constant 0 : i32
    %c0_i32_1 = arith.constant 0 : i32
    return %c0_i32, %c0_i32_0 : i32, i32
  }
  func.func @transform_7(%arg0: i32) -> (i32, i32) {
    %c0_i32 = arith.constant 0 : i32
    %c0_i32_0 = arith.constant 0 : i32
    return %arg0, %c0_i32 : i32, i32
  }
  func.func @transform_8(%arg0: i32) -> (i32, i32) {
    %c0_i32 = arith.constant 0 : i32
    %c0_i32_0 = arith.constant 0 : i32
    return %arg0, %c0_i32 : i32, i32
  }
}

module attributes {stable_mosaic.version = 14 : i64} {
  func.func @_combine_body(%arg0: i32, %arg1: memref<1x1000x128xf32, #tpu.memory_space<vmem>>, %arg2: memref<1x1000x128xf32, #tpu.memory_space<vmem>>, %arg3: memref<1000x128xf32, #tpu.memory_space<vmem>>, %arg4: memref<1000x128xf32, #tpu.memory_space<vmem>>) attributes {dimension_semantics = [#tpu.dimension_semantics<arbitrary>], iteration_bounds = array<i64: 10>, scalar_prefetch = 0 : i64, scratch_operands = 0 : i64, tpu.core_type = #tpu.core_type<tc>, window_params = [{transform_indices = @transform_0, window_bounds = array<i64: 1, 1000, 128>}, {transform_indices = @transform_1, window_bounds = array<i64: 1, 1000, 128>}, {transform_indices = @transform_2, window_bounds = array<i64: 1000, 128>}, {transform_indices = @transform_3, window_bounds = array<i64: 1000, 128>}]} {
    %get3A = arith.constant 0 : index
    %get3A_0 = arith.constant 0 : index
    %get3A_1 = arith.constant 0 : index
    %get3A_2 = vector.load %arg1[%get3A, %get3A_0, %get3A_1] : memref<1x1000x128xf32, #tpu.memory_space<vmem>>, vector<1x1000x128xf32>
    %get3A_3 = vector.shape_cast %get3A_2 : vector<1x1000x128xf32> to vector<1000x128xf32>
    %get3A_4 = arith.constant 0 : index
    %get3A_5 = arith.constant 0 : index
    %get3A_6 = arith.constant 0 : index
    %get3A_7 = vector.load %arg2[%get3A_4, %get3A_5, %get3A_6] : memref<1x1000x128xf32, #tpu.memory_space<vmem>>, vector<1x1000x128xf32>
    %get3A_8 = vector.shape_cast %get3A_7 : vector<1x1000x128xf32> to vector<1000x128xf32>
    %add3A = arith.addf %get3A_3, %get3A_8 : vector<1000x128xf32>
    %get3A_9 = arith.constant 0 : index
    %get3A_10 = arith.constant 0 : index
    %get3A_11 = vector.load %arg3[%get3A_9, %get3A_10] : memref<1000x128xf32, #tpu.memory_space<vmem>>, vector<1000x128xf32>
    %add3A_12 = arith.addf %add3A, %get3A_11 : vector<1000x128xf32>
    %swap3A = arith.constant 0 : index
    %swap3A_13 = arith.constant 0 : index
    %swap3A_14 = vector.load %arg4[%swap3A, %swap3A_13] : memref<1000x128xf32, #tpu.memory_space<vmem>>, vector<1000x128xf32>
    tpu.vector_store %arg4[%swap3A, %swap3A_13], %add3A_12 {strides = array<i32>} : memref<1000x128xf32, #tpu.memory_space<vmem>>, vector<1000x128xf32>,
    return
  }
  func.func @transform_0(%arg0: i32) -> (i32, i32, i32) {
    %c0_i32 = arith.constant 0 : i32
    %c0_i32_0 = arith.constant 0 : i32
    %c0_i32_1 = arith.constant 0 : i32
    return %c0_i32, %arg0, %c0_i32_0 : i32, i32, i32
  }
  func.func @transform_1(%arg0: i32) -> (i32, i32, i32) {
    %c1_i32 = arith.constant 1 : i32
    %c0_i32 = arith.constant 0 : i32
    %c0_i32_0 = arith.constant 0 : i32
    return %c1_i32, %arg0, %c0_i32 : i32, i32, i32
  }
  func.func @transform_2(%arg0: i32) -> (i32, i32) {
    %c0_i32 = arith.constant 0 : i32
    %c0_i32_0 = arith.constant 0 : i32
    return %arg0, %c0_i32 : i32, i32
  }
  func.func @transform_3(%arg0: i32) -> (i32, i32) {
    %c0_i32 = arith.constant 0 : i32
    %c0_i32_0 = arith.constant 0 : i32
    return %arg0, %c0_i32 : i32, i32
  }
}

</mosaic_0001>

<sc_bundles>
// kernel: kernel.5.cloned.1.call-start
scs
__scs_entry_jumppad:
0x0: {  	(pc) =	sbr.rel $0x88, $3  }
0x1: {  	(tag) =	ssettag $0x0;
	lr =	simm.s32 $0x1  }
0x2: {  	[smem:$0x3F98] =	sst lr;
	_ =	strace $0xD0000000  }
0x3: {  	_ = 	snop  }
0x4: {  	_ = 	snop  }
0x5: {  	_ = 	snop  }
0x6: {  	_ = 	snop  }
0x7: {  	_ = 	snop  }
__scs_overlays_trampoline_lowered:
0x8: {  	[smem:$0x3FA7] =	sst s0  }
0x9: {  	[smem:$0x3FA8] =	sst s1  }
0xa: {  	[smem:$0x3FA9] =	sst s2  }
0xb: {  	[smem:$0x3FAA] =	sst s3  }
0xc: {  	[smem:$0x3FAB] =	sst s4  }
0xd: {  	[smem:$0x3FAC] =	sst s5  }
0xe: {  	[smem:$0x3FAD] =	sst s6  }
0xf: {  	[smem:$0x3FAE] =	sst s7  }
0x10: {  	[smem:$0x3FAF] =	sst s8  }
0x11: {  	[smem:$0x3FB0] =	sst s9;
	s0 =	simm.s32 @!p0 $0x0  }
0x12: {  	s1 =	sld [smem:$0x3F96];
	s0 =	simm.s32 @p0 $0x1  }
0x13: {  	[smem:$0x3FB1] =	sst s0;
	s0 =	simm.s32 @!p1 $0x0  }
0x14: {  	s2 =	sld [smem:$0x3F95];
	s0 =	simm.s32 @p1 $0x1  }
0x15: {  	[smem:$0x3FB2] =	sst s0;
	s0 =	simm.s32 @!p2 $0x0  }
0x16: {  	s3 =	sld [smem:$0x3FDB];
	s0 =	simm.s32 @p2 $0x1  }
0x17: {  	s4 =	simm.s32 $0x1BF5;
	[smem:$0x3FB4] =	sst s0  }
0x18: {  	s0 =	sld [smem:$0x3F97];
	_ =	swait.ge [sflag:s4], $0x0  }
0x19: {  	s7 =	sld [smem:$0x3F98]  }
0x1a: {  	s8 =	sadd.s32 $0xFFFFE003, lr  }
0x1b: {  	s9 =	sadd.s32 $0xFFFFFEF7, lr;
	s5 =	simm.s32 $0xFFFFFFFF;
	p2 =	slt.u32 s8, $0xFFFFF086  }
0x1c: {  	p1 =	slt.u32 s9, $0xF7A;
	s5 =	simm.s32 @!p2 $0x0  }
0x1d: {  	s5 =	simm.s32 @p1 $0x1;
	p0 =	seq.s32 s7, s2  }
0x1e: {  	s7 =	smul.u32 @!p0 $0xF7A, s2;
	p2 =	seq.s32 @!p0 s5, $0x0  }
0x1f: {  	s9 =	smul.u32 $0xF7A, s1;
	s8 =	simm.s32 @!p0 $0x1BF5;
	p2 =	por !p2, p0  }
0x20: {  	[sflag:s8] =	ssyncset.s32 @!p0 $0xFFFFF086;
	s6 =	sadd.s32 @!p0 s3, s7;
	s7 =	simm.s32 @!p0 $0x108  }
0x21: {  	s3 =	sadd.s32 s3, s9;
	s6 =	sadd.s32 @!p0 $0x88, s6;
	s7 =	simm.s32 @p2 $0x1082  }
0x22: {  	[simem:s7], [sflag:s8] =	dma.local @!p0 [hbm:s6], $0xF7A  }
0x23: {  	s9 =	sor.u32 $0xD0000000, s2;
	s6 =	simm.s32 $0x108;
	_ =	swait.ge @!p0 [sflag:s8], $0x0  }
0x24: {  	s3 =	sadd.s32 $0x88, s3;
	s6 =	simm.s32 @!p1 $0x1082;
	[sflag:s4] =	ssyncset.s32 $0xFFFFF086  }
0x25: {  	[simem:s6], [sflag:s4] =	dma.local [hbm:s3], $0xF7A  }
0x26: {  	[smem:$0x3F98] =	sst s1;
	(tag) =	ssettag s2;
	_ =	strace s9  }
0x27: {  	s1 =	sld [smem:$0x3FA8]  }
0x28: {  	s2 =	sld [smem:$0x3FA9]  }
0x29: {  	s4 =	sld [smem:$0x3FAB]  }
0x2a: {  	p0 =	seq.s32 s5, $0x0;
	s5 =	sld [smem:$0x3FAC]  }
0x2b: {  	s6 =	sld [smem:$0x3FAD]  }
0x2c: {  	s7 =	sld [smem:$0x3FAE]  }
0x2d: {  	s3 =	simm.s32 $0x108;
	s8 =	sld [smem:$0x3FAF]  }
0x2e: {  	s3 =	simm.s32 @!p0 $0x1082;
	s9 =	sld [smem:$0x3FB0]  }
0x2f: {  	lr =	sadd.s32 s0, s3;
	s0 =	sld [smem:$0x3FA7]  }
0x30: {  	s3 =	sld [smem:$0x3FAA]  }
0x31: {  	[smem:$0x3FB3] =	sst s10  }
0x32: {  	s10 =	sld [smem:$0x3FB1];
	_ =	sdelay $0x3  }
0x33: {  	p0 =	seq.s32 s10, $0x1;
	s10 =	sld [smem:$0x3FB3];
	_ =	sdelay $0x3  }
0x34: {  	[smem:$0x3FB3] =	sst s10  }
0x35: {  	s10 =	sld [smem:$0x3FB2];
	_ =	sdelay $0x3  }
0x36: {  	p1 =	seq.s32 s10, $0x1;
	s10 =	sld [smem:$0x3FB3];
	_ =	sdelay $0x3  }
0x37: {  	[smem:$0x3FB3] =	sst s10  }
0x38: {  	s10 =	sld [smem:$0x3FB4]  }
0x39: {  	_ = 	snop;
	(pc) =	sbr.ind lr, $3  }
0x3a: {  	_ = 	snop  }
0x3b: {  	_ = 	snop  }
0x3c: {  	p2 =	seq.s32 s10, $0x1;
	s10 =	sld [smem:$0x3FB3]  }
0x3d: {  	_ =	shalt  }
0x3e: {  	_ =	shalt  }
0x3f: {  	_ =	shalt  }
0x40: {  	_ =	shalt  }
0x41: {  	_ =	shalt  }
0x42: {  	_ =	shalt  }
0x43: {  	_ =	shalt  }
0x44: {  	_ =	shalt  }
0x45: {  	_ =	shalt  }
0x46: {  	_ =	shalt  }
0x47: {  	_ =	shalt  }
0x48: {  	_ =	shalt  }
0x49: {  	_ =	shalt  }
0x4a: {  	_ =	shalt  }
0x4b: {  	_ =	shalt  }
0x4c: {  	_ =	shalt  }
0x4d: {  	_ =	shalt  }
0x4e: {  	_ =	shalt  }
0x4f: {  	_ =	shalt  }
0x50: {  	_ =	shalt  }
0x51: {  	_ =	shalt  }
0x52: {  	_ =	shalt  }
0x53: {  	_ =	shalt  }
0x54: {  	_ =	shalt  }
0x55: {  	_ =	shalt  }
0x56: {  	_ =	shalt  }
0x57: {  	_ =	shalt  }
0x58: {  	_ =	shalt  }
0x59: {  	_ =	shalt  }
0x5a: {  	_ =	shalt  }
0x5b: {  	_ =	shalt  }
0x5c: {  	_ =	shalt  }
0x5d: {  	_ =	shalt  }
0x5e: {  	_ =	shalt  }
0x5f: {  	_ =	shalt  }
0x60: {  	_ =	shalt  }
0x61: {  	_ =	shalt  }
0x62: {  	_ =	shalt  }
0x63: {  	_ =	shalt  }
0x64: {  	_ =	shalt  }
0x65: {  	_ =	shalt  }
0x66: {  	_ =	shalt  }
0x67: {  	_ =	shalt  }
0x68: {  	_ =	shalt  }
0x69: {  	_ =	shalt  }
0x6a: {  	_ =	shalt  }
0x6b: {  	_ =	shalt  }
0x6c: {  	_ =	shalt  }
0x6d: {  	_ =	shalt  }
0x6e: {  	_ =	shalt  }
0x6f: {  	_ =	shalt  }
0x70: {  	_ =	shalt  }
0x71: {  	_ =	shalt  }
0x72: {  	_ =	shalt  }
0x73: {  	_ =	shalt  }
0x74: {  	_ =	shalt  }
0x75: {  	_ =	shalt  }
0x76: {  	_ =	shalt  }
0x77: {  	_ =	shalt  }
0x78: {  	_ =	shalt  }
0x79: {  	_ =	shalt  }
0x7a: {  	_ =	shalt  }
0x7b: {  	_ =	shalt  }
0x7c: {  	_ =	shalt  }
0x7d: {  	_ =	shalt  }
0x7e: {  	_ =	shalt  }
0x7f: {  	_ =	shalt  }
0x80: {  	_ =	shalt  }
0x81: {  	_ =	shalt  }
0x82: {  	_ =	shalt  }
0x83: {  	_ =	shalt  }
0x84: {  	_ =	shalt  }
0x85: {  	_ =	shalt  }
0x86: {  	_ =	shalt  }
0x87: {  	_ =	shalt  }
.Lfunc_end0:
.L_simem_size_0:
called_computation_lowered:
.L_overlay_start_0:
0x88: {  	s2 =	sld [smem:$0x3FD9]  }
0x89: {  	s3 =	sld [smem:$0x3FFE];
	_ =	sdelay $0x1  }
0x8a: {  	s1 =	srdreg.scid  }
0x8b: {  	s0 =	sand.u32 $0x1, s1  }
0x8c: {  	s17 =	sshll.u32 s0, $0xA;
	s2 =	sadd.s32 s3, s2  }
0x8d: {  	s2 =	sadd.s32 s2, s17  }
0x8e: {  	[smem:$0x3FBF] =	sst s2  }
0x8f: {  	_ = 	snop  }
0x90: {  	s2 =	sld [smem:$0x3FD0];
	(tm) =	ssettm $0x1  }
0x91: {  	s18 =	sld [smem:$0x3FFB];
	_ =	sdelay $0x3  }
0x92: {  	_ =	strace s18  }
0x93: {  	s3 =	sld [smem:$0x3FFC];
	_ =	sdelay $0x3  }
0x94: {  	_ =	strace s3  }
0x95: {  	s3 =	sld [smem:$0x3FFD];
	_ =	sdelay $0x3  }
0x96: {  	_ =	strace s3  }
0x97: {  	_ =	strace $0x8FFFFFFF  }
0x98: {  	s19 =	sld [smem:$0x3FDB];
	_ =	sdelay $0x1  }
0x99: {  	s4 =	simm.s32 $_scs_section_size  }
0x9a: {  	s5 =	simm.s32 $_size__tile_overlayer_lowered;
	s6 =	simm.s32 $_tile_overlayer_lowered  }
0x9b: {  	s22 =	simm.s32 $0x1BFF;
	s21 =	sshll.u32 s6, $0x1;
	s3 =	sadd.s32 s4, s19  }
0x9c: {  	s7 =	simm.s32 $0x0;
	s20 =	sshll.u32 s5, $0x1;
	s5 =	sadd.s32 s21, s3  }
0x9d: {  	[timem:s7], [sflag:s22] =	dma.local [hbm:s5], s20  }
0x9e: {  	_ =	swait.ge [sflag:s22], s20  }
0x9f: {  	s4 =	ssub.s32 $0x0, s20;
	[sflag:s22] =	ssyncset.done $0x0  }
0xa0: {  	[sflag:s22] =	ssyncadd.s32 s4;
	_ =	sdelay $0x1  }
0xa1: {  	s23 =	simm.s32 $0x1B8B  }
0xa2: {  	_ =	swait.ge [sflag:s23], $0x1  }
0xa3: {  	[sflag:s23] =	ssyncset.done $0x0  }
0xa4: {  	s25 =	simm.s32 $0x1B8E;
	s24 =	sld [smem:$0x3FFE];
	[sflag:s23] =	ssyncadd.s32 $0xFFFFFFFF  }
0xa5: {  	s26 =	simm.s32 $execute0_lowered;
	[smem:$0x3FD2] =	sst s25  }
0xa6: {  	s5 =	sshll.u32 s26, $0x1;
	_ =	strace $0x80000046;
	[dreg:$0x1] =	wrdreg $0xFFFFFFFF  }
0xa7: {  	s28 =	simm.s32 $_size_execute0_lowered;
	s3 =	sadd.s32 s3, s5;
	[dreg:$0x0] =	wrdreg $0x0  }
0xa8: {  	s5 =	sshll.u32 s28, $0x1;
	[dreg:$0x2] =	wrdreg s3  }
0xa9: {  	[dreg:$0x3] =	wrdreg s5  }
0xaa: {  	[dreg:$0x4] =	wrdreg $0xC0  }
0xab: {  	_ =	task [dreg:s7], $0x5FFFF  }
0xac: {  	[dreg:$0x1] =	wrdreg $0xFFFFFFFF  }
0xad: {  	[dreg:$0x0] =	wrdreg $0x60  }
0xae: {  	[dreg:$0x2] =	wrdreg s2  }
0xaf: {  	[dreg:$0x3] =	wrdreg s24  }
0xb0: {  	[dreg:$0x4] =	wrdreg $0xB8000  }
0xb1: {  	[dreg:$0x5] =	wrdreg $0x9  }
0xb2: {  	_ =	task.clear_ibuf [dreg:s7], $0x6FFFF;
	_ =	strace $0x90000046  }
0xb3: {  	s29 =	simm.s32 $0x9;
	_ =	strace $0x80000048  }
0xb4: {  	_ =	swait.ge [sflag:s29], $0x1  }
0xb5: {  	[sflag:s29] =	ssyncadd.s32 $0xFFFFFFFF  }
0xb6: {  	_ =	strace $0x90000048  }
0xb7: {  	_ =	sfence  }
0xb8: {  	s30 =	sld [smem:$0x0];
	_ =	sdelay $0x2  }
0xb9: {  	s31 =	sshll.u32 s1, $0xD;
	s1 =	sshrl.u32 s1, $0x2  }
0xba: {  	s3 =	sand.u32 $0x4000, s31;
	s1 =	sadd.s32 s1, s30  }
0xbb: {  	s0 =	sor.u32 s3, s0;
	s1 =	sshll.u32 s1, $0x11  }
0xbc: {  	s0 =	sor.u32 s1, s0  }
0xbd: {  	s0 =	sadd.s32 $0x8F2B, s0  }
0xbe: {  	[sflag:s0] =	ssyncadd.remote.s32 $0x1  }
0xbf: {  	_ =	sfence.sel $0xFFFF  }
0xc0: {  	[dreg:$0x0] =	wrdreg $0xFFFFFFFF;
	(pc) =	sbr.abs _section_cstart, $3  }
0xc1: {  	[dreg:$0x1] =	wrdreg $0xFFFFFFFF  }
0xc2: {  	_ =	task.clear_ibuf [dreg:s7], $0x2FFFF;
	_ =	strace $0x9FFFFFFF  }
0xc3: {  	(tm) =	ssettm $0x7FFFFFFF  }
tec
execute0_lowered:
.L_overlay_start_1:
0x0: {  	(tag) =	ssettag $0x1  }
0x1: {  	s2 =	rddreg [dreg:$0x0]  }
0x2: {  	s6 =	rddreg [dreg:$0x1]  }
0x3: {  	s0 =	srdreg.scid;
	s3 =	rddreg [dreg:$0x2];
	s4 =	simm.s32 $0x0  }
0x4: {  	s14 =	simm.s32 $0x2800;
	s15 =	simm.s32 $0x5000;
	s16 =	simm.s32 $0x80  }
0x5: {  	s17 =	simm.s32 $0x7800;
	s18 =	simm.s32 $0x1;
	s5 =	sand.u32 $0x1, s0  }
0x6: {  	s19 =	simm.s32 $0x0;
	s0 =	stileid.u32;
	s8 =	smul.u32 $0x13C000, s5  }
0x7: {  	[smem:$0x7FF] =	sst s4;
	s1 =	sshll.u32 s5, $0x4;
	s9 =	smul.u32 $0x13C00, s0  }
0x8: {  	s26 =	ssub.s32 $0x2, s5;
	s28 =	smul.u32 $0x4F000, s0;
	s5 =	sadd.s32 $0x1FA00, s6  }
0x9: {  	s31 =	sshll.u32 s0, $0x6;
	s1 =	sor.u32 s0, s1;
	s29 =	sshrl.u32 s26, $0x1  }
0xa: {  	s7 =	smul.u32 $0x500, s1;
	s1 =	rddreg [dreg:$0x3];
	_ =	strace $0x80000047  }
0xb: {  	s25 =	sadd.s32 s9, s8;
	s12 =	ssub.s32 s26, s29;
	s30 =	sshrl.u32 s28, $0x2  }
0xc: {  	s13 =	sadd.s32 s30, s3;
	s10 =	sadd.s32 s7, s6;
	s7 =	sshrl.u32 s25, $0x3  }
0xd: {  	s11 =	sadd.s32 s7, s6;
	s6 =	sor.u32 $0x1C02, s31;
	s7 =	sadd.s32 $0xBA00, s10  }
0xe: {  	s8 =	sadd.s32 $0x15A00, s10;
	s9 =	sadd.s32 $0x1A00, s10;
	s10 =	sadd.s32 $0x22200, s11  }
0xf: {  	s11 =	smax.u32 s12, $0x1;
	s12 =	sshrl.u32 s13, $0x3;
	s13 =	simm.s32 $0x2  }
.LBB2_1:
0x10: {  	[spmem:s12], [sflag:s6] =	dma.local [hbm:s5], $0x2780  }
0x11: {  	_ =	swait.ge [sflag:s13], $0x2780  }
0x12: {  	[sflag:s13] =	ssyncset.done $0x0  }
0x13: {  	[sflag:s13] =	ssyncadd.s32 $0xFFFFD880  }
0x14: {  	[tilespmem:s4], [sflag:$0x2] =	stream.linear.gather [hbm4b:s7+s4], $0x2780, $0x38;
	[tilespmem:$0x1F400] =	vst v63  }
0x15: {  	_ =	swait.ge [sflag:s13], $0x2780  }
0x16: {  	[sflag:s13] =	ssyncset.done $0x0  }
0x17: {  	[sflag:s13] =	ssyncadd.s32 $0xFFFFD880  }
0x18: {  	[tilespmem:s14], [sflag:$0x2] =	stream.linear.gather [hbm4b:s8+s4], $0x2780, $0x38;
	[tilespmem:$0x1F400] =	vst v63  }
0x19: {  	_ =	swait.ge [sflag:s13], $0x2780  }
0x1a: {  	[sflag:s13] =	ssyncset.done $0x0  }
0x1b: {  	[sflag:s13] =	ssyncadd.s32 $0xFFFFD880  }
0x1c: {  	[tilespmem:s15], [sflag:$0x2] =	stream.linear.gather [hbm4b:s9+s4], $0x2780, $0x38;
	[tilespmem:$0x1F400] =	vst v63  }
0x1d: {  	_ =	swait.ge [sflag:s13], $0x2780  }
0x1e: {  	[sflag:s13] =	ssyncset.done $0x0  }
0x1f: {  	[sflag:s13] =	ssyncadd.s32 $0xFFFFD880  }
0x20: {  	s20 =	simm.s32 $0x0;
	[bflag:$0x0] =	sbarrier.arrive $0xFFFF  }
.LBB2_2:
0x21: {  	s21 =	sshll.u32 s20, $0x7  }
0x22: {  	[tilespmem:s17], [sflag:$0x1] =	stream.indirect.gather [hbm4b:s2+s16], $0x80, s21, s16, $0xb8;
	[tilespmem:$0x1F400] =	vst v63  }
0x23: {  	s23 =	sadd.s32 $0x5000, s21  }
0x24: {  	_ =	swait.ge [sflag:s18], $0x4000;
	v0 =	vmov s23  }
0x25: {  	[sflag:s18] =	ssyncset.done $0x0  }
0x26: {  	s22 =	simm.s32 $0x0;
	[sflag:s18] =	ssyncadd.s32 $0xFFFFC000  }
.LBB2_3:
0x27: {  	s23 =	sshll.u32 s22, $0x4  }
0x28: {  	s23 =	sand.u32 $0x3FFFFFF0, s23  }
0x29: {  	s31 =	sshll.u32 s22, $0xB;
	v1 =	vld.idx.msk [tilespmem:v0+s23+$0x0 ss:$0x1], $0xffff  }
0x2a: {  	s23 =	sand.u32 $0x3FFFF800, s31  }
0x2b: {  	v2 =	vld [tilespmem:s23+$0x7800]  }
0x2c: {  	v3 =	vld [tilespmem:s23+$0x7810]  }
0x2d: {  	v4 =	vld [tilespmem:s23+$0x7820]  }
0x2e: {  	v6 =	vld [tilespmem:s23+$0x7830];
	v5 =	vbroadcast v1, $0x0  }
0x2f: {  	v7 =	vld [tilespmem:s23+$0x7840]  }
0x30: {  	v8 =	vld [tilespmem:s23+$0x7850];
	v2 =	vmul.f32 v5, v2  }
0x31: {  	v9 =	vld [tilespmem:s23+$0x7860];
	v3 =	vmul.f32 v3, v5  }
0x32: {  	v34 =	vld [tilespmem:s23+$0x7870];
	[tilespmem:s23+$0x7800] =	vst v2;
	v2 =	vmul.f32 v4, v5  }
0x33: {  	v35 =	vld [tilespmem:s23+$0x7880];
	[tilespmem:s23+$0x7810] =	vst v3;
	v3 =	vmul.f32 v6, v5  }
0x34: {  	v36 =	vld [tilespmem:s23+$0x7890];
	[tilespmem:s23+$0x7820] =	vst v2;
	v2 =	vmul.f32 v7, v5  }
0x35: {  	v37 =	vld [tilespmem:s23+$0x78A0];
	[tilespmem:s23+$0x7830] =	vst v3;
	v3 =	vmul.f32 v8, v5  }
0x36: {  	v10 =	vld [tilespmem:s23+$0x78B0];
	v38 =	vbroadcast v1, $0x1;
	[tilespmem:s23+$0x7840] =	vst v2;
	v2 =	vmul.f32 v9, v5  }
0x37: {  	v39 =	vld [tilespmem:s23+$0x78C0];
	[tilespmem:s23+$0x7850] =	vst v3;
	v3 =	vmul.f32 v34, v5  }
0x38: {  	v40 =	vld [tilespmem:s23+$0x78D0];
	[tilespmem:s23+$0x7860] =	vst v2;
	v2 =	vmul.f32 v35, v38  }
0x39: {  	v41 =	vld [tilespmem:s23+$0x78E0];
	[tilespmem:s23+$0x7870] =	vst v3;
	v3 =	vmul.f32 v36, v38  }
0x3a: {  	v42 =	vld [tilespmem:s23+$0x78F0];
	[tilespmem:s23+$0x7880] =	vst v2;
	v2 =	vmul.f32 v37, v38  }
0x3b: {  	v43 =	vld [tilespmem:s23+$0x7900];
	[tilespmem:s23+$0x7890] =	vst v3;
	v3 =	vmul.f32 v10, v38  }
0x3c: {  	v44 =	vld [tilespmem:s23+$0x7910];
	[tilespmem:s23+$0x78A0] =	vst v2;
	v2 =	vmul.f32 v39, v38  }
0x3d: {  	v45 =	vld [tilespmem:s23+$0x7920];
	[tilespmem:s23+$0x78B0] =	vst v3;
	v3 =	vmul.f32 v40, v38  }
0x3e: {  	v47 =	vld [tilespmem:s23+$0x7930];
	v46 =	vbroadcast v1, $0x2;
	[tilespmem:s23+$0x78C0] =	vst v2;
	v2 =	vmul.f32 v41, v38  }
0x3f: {  	v48 =	vld [tilespmem:s23+$0x7940];
	[tilespmem:s23+$0x78D0] =	vst v3;
	v3 =	vmul.f32 v42, v38  }
0x40: {  	v49 =	vld [tilespmem:s23+$0x7950];
	[tilespmem:s23+$0x78E0] =	vst v2;
	v2 =	vmul.f32 v43, v46  }
0x41: {  	v50 =	vld [tilespmem:s23+$0x7960];
	[tilespmem:s23+$0x78F0] =	vst v3;
	v3 =	vmul.f32 v44, v46  }
0x42: {  	v51 =	vld [tilespmem:s23+$0x7970];
	[tilespmem:s23+$0x7900] =	vst v2;
	v2 =	vmul.f32 v45, v46  }
0x43: {  	v52 =	vld [tilespmem:s23+$0x7980];
	[tilespmem:s23+$0x7910] =	vst v3;
	v3 =	vmul.f32 v47, v46  }
0x44: {  	v53 =	vld [tilespmem:s23+$0x7990];
	[tilespmem:s23+$0x7920] =	vst v2;
	v2 =	vmul.f32 v48, v46  }
0x45: {  	v54 =	vld [tilespmem:s23+$0x79A0];
	[tilespmem:s23+$0x7930] =	vst v3;
	v3 =	vmul.f32 v49, v46  }
0x46: {  	v56 =	vld [tilespmem:s23+$0x79B0];
	v55 =	vbroadcast v1, $0x3;
	[tilespmem:s23+$0x7940] =	vst v2;
	v2 =	vmul.f32 v50, v46  }
0x47: {  	v57 =	vld [tilespmem:s23+$0x79C0];
	[tilespmem:s23+$0x7950] =	vst v3;
	v3 =	vmul.f32 v51, v46  }
0x48: {  	v58 =	vld [tilespmem:s23+$0x79D0];
	[tilespmem:s23+$0x7960] =	vst v2;
	v2 =	vmul.f32 v52, v55  }
0x49: {  	v59 =	vld [tilespmem:s23+$0x79E0];
	[tilespmem:s23+$0x7970] =	vst v3;
	v3 =	vmul.f32 v53, v55  }
0x4a: {  	v60 =	vld [tilespmem:s23+$0x79F0];
	[tilespmem:s23+$0x7980] =	vst v2;
	v2 =	vmul.f32 v54, v55  }
0x4b: {  	v61 =	vld [tilespmem:s23+$0x7A00];
	[tilespmem:s23+$0x7990] =	vst v3;
	v3 =	vmul.f32 v56, v55  }
0x4c: {  	v62 =	vld [tilespmem:s23+$0x7A10];
	[tilespmem:s23+$0x79A0] =	vst v2;
	v2 =	vmul.f32 v57, v55  }
0x4d: {  	v63 =	vld [tilespmem:s23+$0x7A20];
	[tilespmem:s23+$0x79B0] =	vst v3;
	v3 =	vmul.f32 v58, v55  }
0x4e: {  	v13 =	vld [tilespmem:s23+$0x7A30];
	v12 =	vbroadcast v1, $0x4;
	[tilespmem:s23+$0x79C0] =	vst v2;
	v2 =	vmul.f32 v59, v55  }
0x4f: {  	v14 =	vld [tilespmem:s23+$0x7A40];
	[tilespmem:s23+$0x79D0] =	vst v3;
	v3 =	vmul.f32 v60, v55  }
0x50: {  	v15 =	vld [tilespmem:s23+$0x7A50];
	[tilespmem:s23+$0x79E0] =	vst v2;
	v2 =	vmul.f32 v61, v12  }
0x51: {  	v16 =	vld [tilespmem:s23+$0x7A60];
	[tilespmem:s23+$0x79F0] =	vst v3;
	v3 =	vmul.f32 v62, v12  }
0x52: {  	v17 =	vld [tilespmem:s23+$0x7A70];
	[tilespmem:s23+$0x7A00] =	vst v2;
	v2 =	vmul.f32 v63, v12  }
0x53: {  	v18 =	vld [tilespmem:s23+$0x7A80];
	[tilespmem:s23+$0x7A10] =	vst v3;
	v3 =	vmul.f32 v13, v12  }
0x54: {  	v19 =	vld [tilespmem:s23+$0x7A90];
	[tilespmem:s23+$0x7A20] =	vst v2;
	v2 =	vmul.f32 v14, v12  }
0x55: {  	v20 =	vld [tilespmem:s23+$0x7AA0];
	[tilespmem:s23+$0x7A30] =	vst v3;
	v3 =	vmul.f32 v15, v12  }
0x56: {  	v22 =	vld [tilespmem:s23+$0x7AB0];
	v21 =	vbroadcast v1, $0x5;
	[tilespmem:s23+$0x7A40] =	vst v2;
	v2 =	vmul.f32 v16, v12  }
0x57: {  	v23 =	vld [tilespmem:s23+$0x7AC0];
	[tilespmem:s23+$0x7A50] =	vst v3;
	v3 =	vmul.f32 v17, v12  }
0x58: {  	v24 =	vld [tilespmem:s23+$0x7AD0];
	[tilespmem:s23+$0x7A60] =	vst v2;
	v2 =	vmul.f32 v18, v21  }
0x59: {  	v25 =	vld [tilespmem:s23+$0x7AE0];
	[tilespmem:s23+$0x7A70] =	vst v3;
	v3 =	vmul.f32 v19, v21  }
0x5a: {  	v26 =	vld [tilespmem:s23+$0x7AF0];
	[tilespmem:s23+$0x7A80] =	vst v2;
	v2 =	vmul.f32 v20, v21  }
0x5b: {  	v27 =	vld [tilespmem:s23+$0x7B00];
	[tilespmem:s23+$0x7A90] =	vst v3;
	v3 =	vmul.f32 v22, v21  }
0x5c: {  	v28 =	vld [tilespmem:s23+$0x7B10];
	[tilespmem:s23+$0x7AA0] =	vst v2;
	v2 =	vmul.f32 v23, v21  }
0x5d: {  	v29 =	vld [tilespmem:s23+$0x7B20];
	[tilespmem:s23+$0x7AB0] =	vst v3;
	v3 =	vmul.f32 v24, v21  }
0x5e: {  	v31 =	vld [tilespmem:s23+$0x7B30];
	v30 =	vbroadcast v1, $0x6;
	[tilespmem:s23+$0x7AC0] =	vst v2;
	v2 =	vmul.f32 v25, v21  }
0x5f: {  	v32 =	vld [tilespmem:s23+$0x7B40];
	[tilespmem:s23+$0x7AD0] =	vst v3;
	v3 =	vmul.f32 v26, v21  }
0x60: {  	v33 =	vld [tilespmem:s23+$0x7B50];
	[tilespmem:s23+$0x7AE0] =	vst v2;
	v2 =	vmul.f32 v27, v30  }
0x61: {  	v34 =	vld [tilespmem:s23+$0x7B60];
	[tilespmem:s23+$0x7AF0] =	vst v3;
	v3 =	vmul.f32 v28, v30  }
0x62: {  	v35 =	vld [tilespmem:s23+$0x7B70];
	[tilespmem:s23+$0x7B00] =	vst v2;
	v2 =	vmul.f32 v29, v30  }
0x63: {  	v36 =	vld [tilespmem:s23+$0x7B80];
	[tilespmem:s23+$0x7B10] =	vst v3;
	v3 =	vmul.f32 v31, v30  }
0x64: {  	v37 =	vld [tilespmem:s23+$0x7B90];
	[tilespmem:s23+$0x7B20] =	vst v2;
	v2 =	vmul.f32 v32, v30  }
0x65: {  	v38 =	vld [tilespmem:s23+$0x7BA0];
	[tilespmem:s23+$0x7B30] =	vst v3;
	v3 =	vmul.f32 v33, v30  }
0x66: {  	v39 =	vbroadcast v1, $0x7;
	v40 =	vld [tilespmem:s23+$0x7BB0];
	[tilespmem:s23+$0x7B40] =	vst v2;
	v2 =	vmul.f32 v34, v30  }
0x67: {  	v41 =	vld [tilespmem:s23+$0x7BC0];
	[tilespmem:s23+$0x7B50] =	vst v3;
	v3 =	vmul.f32 v35, v30  }
0x68: {  	v42 =	vld [tilespmem:s23+$0x7BD0];
	[tilespmem:s23+$0x7B60] =	vst v2;
	v2 =	vmul.f32 v36, v39  }
0x69: {  	v43 =	vld [tilespmem:s23+$0x7BE0];
	[tilespmem:s23+$0x7B70] =	vst v3;
	v3 =	vmul.f32 v37, v39  }
0x6a: {  	v44 =	vld [tilespmem:s23+$0x7BF0];
	[tilespmem:s23+$0x7B80] =	vst v2;
	v2 =	vmul.f32 v38, v39  }
0x6b: {  	v45 =	vld [tilespmem:s23+$0x7C00];
	[tilespmem:s23+$0x7B90] =	vst v3;
	v3 =	vmul.f32 v40, v39  }
0x6c: {  	v46 =	vld [tilespmem:s23+$0x7C10];
	[tilespmem:s23+$0x7BA0] =	vst v2;
	v2 =	vmul.f32 v41, v39  }
0x6d: {  	v47 =	vld [tilespmem:s23+$0x7C20];
	[tilespmem:s23+$0x7BB0] =	vst v3;
	v3 =	vmul.f32 v42, v39  }
0x6e: {  	v48 =	vbroadcast v1, $0x8;
	v49 =	vld [tilespmem:s23+$0x7C30];
	[tilespmem:s23+$0x7BC0] =	vst v2;
	v2 =	vmul.f32 v43, v39  }
0x6f: {  	v50 =	vld [tilespmem:s23+$0x7C40];
	[tilespmem:s23+$0x7BD0] =	vst v3;
	v3 =	vmul.f32 v44, v39  }
0x70: {  	v51 =	vld [tilespmem:s23+$0x7C50];
	[tilespmem:s23+$0x7BE0] =	vst v2;
	v2 =	vmul.f32 v45, v48  }
0x71: {  	v52 =	vld [tilespmem:s23+$0x7C60];
	[tilespmem:s23+$0x7BF0] =	vst v3;
	v3 =	vmul.f32 v46, v48  }
0x72: {  	v53 =	vld [tilespmem:s23+$0x7C70];
	[tilespmem:s23+$0x7C00] =	vst v2;
	v2 =	vmul.f32 v47, v48  }
0x73: {  	v54 =	vld [tilespmem:s23+$0x7C80];
	[tilespmem:s23+$0x7C10] =	vst v3;
	v3 =	vmul.f32 v49, v48  }
0x74: {  	v55 =	vld [tilespmem:s23+$0x7C90];
	[tilespmem:s23+$0x7C20] =	vst v2;
	v2 =	vmul.f32 v50, v48  }
0x75: {  	v56 =	vld [tilespmem:s23+$0x7CA0];
	[tilespmem:s23+$0x7C30] =	vst v3;
	v3 =	vmul.f32 v51, v48  }
0x76: {  	v57 =	vbroadcast v1, $0x9;
	v58 =	vld [tilespmem:s23+$0x7CB0];
	[tilespmem:s23+$0x7C40] =	vst v2;
	v2 =	vmul.f32 v52, v48  }
0x77: {  	v59 =	vld [tilespmem:s23+$0x7CC0];
	[tilespmem:s23+$0x7C50] =	vst v3;
	v3 =	vmul.f32 v53, v48  }
0x78: {  	v60 =	vld [tilespmem:s23+$0x7CD0];
	[tilespmem:s23+$0x7C60] =	vst v2;
	v2 =	vmul.f32 v54, v57  }
0x79: {  	v61 =	vld [tilespmem:s23+$0x7CE0];
	[tilespmem:s23+$0x7C70] =	vst v3;
	v3 =	vmul.f32 v55, v57  }
0x7a: {  	v62 =	vld [tilespmem:s23+$0x7CF0];
	[tilespmem:s23+$0x7C80] =	vst v2;
	v2 =	vmul.f32 v56, v57  }
0x7b: {  	v63 =	vld [tilespmem:s23+$0x7D00];
	[tilespmem:s23+$0x7C90] =	vst v3;
	v3 =	vmul.f32 v58, v57  }
0x7c: {  	v12 =	vld [tilespmem:s23+$0x7D10];
	[tilespmem:s23+$0x7CA0] =	vst v2;
	v2 =	vmul.f32 v59, v57  }
0x7d: {  	v13 =	vld [tilespmem:s23+$0x7D20];
	[tilespmem:s23+$0x7CB0] =	vst v3;
	v3 =	vmul.f32 v60, v57  }
0x7e: {  	v14 =	vbroadcast v1, $0xA;
	v15 =	vld [tilespmem:s23+$0x7D30];
	[tilespmem:s23+$0x7CC0] =	vst v2;
	v2 =	vmul.f32 v61, v57  }
0x7f: {  	v16 =	vld [tilespmem:s23+$0x7D40];
	[tilespmem:s23+$0x7CD0] =	vst v3;
	v3 =	vmul.f32 v62, v57  }
0x80: {  	v17 =	vld [tilespmem:s23+$0x7D50];
	[tilespmem:s23+$0x7CE0] =	vst v2;
	v2 =	vmul.f32 v63, v14  }
0x81: {  	v18 =	vld [tilespmem:s23+$0x7D60];
	[tilespmem:s23+$0x7CF0] =	vst v3;
	v3 =	vmul.f32 v12, v14  }
0x82: {  	v19 =	vld [tilespmem:s23+$0x7D70];
	[tilespmem:s23+$0x7D00] =	vst v2;
	v2 =	vmul.f32 v13, v14  }
0x83: {  	v20 =	vld [tilespmem:s23+$0x7D80];
	[tilespmem:s23+$0x7D10] =	vst v3;
	v3 =	vmul.f32 v15, v14  }
0x84: {  	v21 =	vld [tilespmem:s23+$0x7D90];
	[tilespmem:s23+$0x7D20] =	vst v2;
	v2 =	vmul.f32 v16, v14  }
0x85: {  	v22 =	vld [tilespmem:s23+$0x7DA0];
	[tilespmem:s23+$0x7D30] =	vst v3;
	v3 =	vmul.f32 v17, v14  }
0x86: {  	v23 =	vbroadcast v1, $0xB;
	v24 =	vld [tilespmem:s23+$0x7DB0];
	[tilespmem:s23+$0x7D40] =	vst v2;
	v2 =	vmul.f32 v18, v14  }
0x87: {  	v25 =	vld [tilespmem:s23+$0x7DC0];
	[tilespmem:s23+$0x7D50] =	vst v3;
	v3 =	vmul.f32 v19, v14  }
0x88: {  	v26 =	vld [tilespmem:s23+$0x7DD0];
	[tilespmem:s23+$0x7D60] =	vst v2;
	v2 =	vmul.f32 v20, v23  }
0x89: {  	v27 =	vld [tilespmem:s23+$0x7DE0];
	[tilespmem:s23+$0x7D70] =	vst v3;
	v3 =	vmul.f32 v21, v23  }
0x8a: {  	v28 =	vld [tilespmem:s23+$0x7DF0];
	[tilespmem:s23+$0x7D80] =	vst v2;
	v2 =	vmul.f32 v22, v23  }
0x8b: {  	v29 =	vld [tilespmem:s23+$0x7E00];
	[tilespmem:s23+$0x7D90] =	vst v3;
	v3 =	vmul.f32 v24, v23  }
0x8c: {  	v30 =	vld [tilespmem:s23+$0x7E10];
	[tilespmem:s23+$0x7DA0] =	vst v2;
	v2 =	vmul.f32 v25, v23  }
0x8d: {  	v31 =	vld [tilespmem:s23+$0x7E20];
	[tilespmem:s23+$0x7DB0] =	vst v3;
	v3 =	vmul.f32 v26, v23  }
0x8e: {  	v32 =	vbroadcast v1, $0xC;
	v33 =	vld [tilespmem:s23+$0x7E30];
	[tilespmem:s23+$0x7DC0] =	vst v2;
	v2 =	vmul.f32 v27, v23  }
0x8f: {  	v34 =	vld [tilespmem:s23+$0x7E40];
	[tilespmem:s23+$0x7DD0] =	vst v3;
	v3 =	vmul.f32 v28, v23  }
0x90: {  	v35 =	vld [tilespmem:s23+$0x7E50];
	[tilespmem:s23+$0x7DE0] =	vst v2;
	v2 =	vmul.f32 v29, v32  }
0x91: {  	v36 =	vld [tilespmem:s23+$0x7E60];
	[tilespmem:s23+$0x7DF0] =	vst v3;
	v3 =	vmul.f32 v30, v32  }
0x92: {  	v37 =	vld [tilespmem:s23+$0x7E70];
	[tilespmem:s23+$0x7E00] =	vst v2;
	v2 =	vmul.f32 v31, v32  }
0x93: {  	v38 =	vld [tilespmem:s23+$0x7E80];
	[tilespmem:s23+$0x7E10] =	vst v3;
	v3 =	vmul.f32 v33, v32  }
0x94: {  	v39 =	vld [tilespmem:s23+$0x7E90];
	[tilespmem:s23+$0x7E20] =	vst v2;
	v2 =	vmul.f32 v34, v32  }
0x95: {  	v40 =	vld [tilespmem:s23+$0x7EA0];
	[tilespmem:s23+$0x7E30] =	vst v3;
	v3 =	vmul.f32 v35, v32  }
0x96: {  	v41 =	vbroadcast v1, $0xD;
	v42 =	vld [tilespmem:s23+$0x7EB0];
	[tilespmem:s23+$0x7E40] =	vst v2;
	v2 =	vmul.f32 v36, v32  }
0x97: {  	v43 =	vld [tilespmem:s23+$0x7EC0];
	[tilespmem:s23+$0x7E50] =	vst v3;
	v3 =	vmul.f32 v37, v32  }
0x98: {  	v44 =	vld [tilespmem:s23+$0x7ED0];
	[tilespmem:s23+$0x7E60] =	vst v2;
	v2 =	vmul.f32 v38, v41  }
0x99: {  	v45 =	vld [tilespmem:s23+$0x7EE0];
	[tilespmem:s23+$0x7E70] =	vst v3;
	v3 =	vmul.f32 v39, v41  }
0x9a: {  	v46 =	vld [tilespmem:s23+$0x7EF0];
	[tilespmem:s23+$0x7E80] =	vst v2;
	v2 =	vmul.f32 v40, v41  }
0x9b: {  	v47 =	vld [tilespmem:s23+$0x7F00];
	[tilespmem:s23+$0x7E90] =	vst v3;
	v3 =	vmul.f32 v42, v41  }
0x9c: {  	v48 =	vld [tilespmem:s23+$0x7F10];
	[tilespmem:s23+$0x7EA0] =	vst v2;
	v2 =	vmul.f32 v43, v41  }
0x9d: {  	v49 =	vld [tilespmem:s23+$0x7F20];
	[tilespmem:s23+$0x7EB0] =	vst v3;
	v3 =	vmul.f32 v44, v41  }
0x9e: {  	v50 =	vbroadcast v1, $0xE;
	v51 =	vld [tilespmem:s23+$0x7F30];
	[tilespmem:s23+$0x7EC0] =	vst v2;
	v2 =	vmul.f32 v45, v41  }
0x9f: {  	v52 =	vld [tilespmem:s23+$0x7F40];
	[tilespmem:s23+$0x7ED0] =	vst v3;
	v3 =	vmul.f32 v46, v41  }
0xa0: {  	v53 =	vld [tilespmem:s23+$0x7F50];
	[tilespmem:s23+$0x7EE0] =	vst v2;
	v2 =	vmul.f32 v47, v50  }
0xa1: {  	v54 =	vld [tilespmem:s23+$0x7F60];
	[tilespmem:s23+$0x7EF0] =	vst v3;
	v3 =	vmul.f32 v48, v50  }
0xa2: {  	v55 =	vld [tilespmem:s23+$0x7F70];
	[tilespmem:s23+$0x7F00] =	vst v2;
	v2 =	vmul.f32 v49, v50  }
0xa3: {  	v56 =	vld [tilespmem:s23+$0x7F80];
	[tilespmem:s23+$0x7F10] =	vst v3;
	v3 =	vmul.f32 v51, v50  }
0xa4: {  	v57 =	vld [tilespmem:s23+$0x7F90];
	[tilespmem:s23+$0x7F20] =	vst v2;
	v2 =	vmul.f32 v52, v50  }
0xa5: {  	v58 =	vld [tilespmem:s23+$0x7FA0];
	[tilespmem:s23+$0x7F30] =	vst v3;
	v3 =	vmul.f32 v53, v50  }
0xa6: {  	v1 =	vbroadcast v1, $0xF;
	v59 =	vld [tilespmem:s23+$0x7FB0];
	[tilespmem:s23+$0x7F40] =	vst v2;
	v2 =	vmul.f32 v54, v50  }
0xa7: {  	v60 =	vld [tilespmem:s23+$0x7FC0];
	[tilespmem:s23+$0x7F50] =	vst v3;
	v3 =	vmul.f32 v55, v50  }
0xa8: {  	v61 =	vld [tilespmem:s23+$0x7FD0];
	[tilespmem:s23+$0x7F60] =	vst v2;
	v2 =	vmul.f32 v56, v1  }
0xa9: {  	v62 =	vld [tilespmem:s23+$0x7FE0];
	[tilespmem:s23+$0x7F70] =	vst v3;
	v3 =	vmul.f32 v57, v1  }
0xaa: {  	v63 =	vld [tilespmem:s23+$0x7FF0];
	[tilespmem:s23+$0x7F80] =	vst v2;
	v2 =	vmul.f32 v58, v1  }
0xab: {  	[tilespmem:s23+$0x7F90] =	vst v3;
	v3 =	vmul.f32 v59, v1  }
0xac: {  	p0 =	sne.s32 s22, $0x7;
	[tilespmem:s23+$0x7FA0] =	vst v2;
	v2 =	vmul.f32 v60, v1  }
.Ltmp0:
0xad: {  	[tilespmem:s23+$0x7FB0] =	vst v3;
	v3 =	vmul.f32 v61, v1;
	(pc) =	sbr.rel @p0 .LBB2_3-.Ltmp0, $4  }
0xae: {  	[tilespmem:s23+$0x7FC0] =	vst v2;
	v2 =	vmul.f32 v62, v1  }
0xaf: {  	[tilespmem:s23+$0x7FD0] =	vst v3;
	v1 =	vmul.f32 v63, v1  }
0xb0: {  	[tilespmem:s23+$0x7FE0] =	vst v2  }
0xb1: {  	s22 =	sadd.s32 $0x1, s22;
	[tilespmem:s23+$0x7FF0] =	vst v1  }
0xb2: {  	s20 =	sadd.s32 $0x1, s20  }
0xb3: {  	p0 =	sne.s32 s20, $0x4F  }
.Ltmp1:
0xb4: {  	s21 =	sadd.s32 $0x2800, s21;
	(pc) =	sbr.rel @p0 .LBB2_2-.Ltmp1, $4  }
0xb5: {  	[spmem:s3] =	stream.indirect.scatter.add.f32 [tilespmem:s17], [sflag:$0x2], $0x80, s21, s16, $0xb8;
	[tilespmem:$0x1F400] =	vst v63  }
0xb6: {  	_ =	swait.ge [sflag:s13], $0x4000  }
0xb7: {  	[sflag:s13] =	ssyncset.done $0x0  }
0xb8: {  	[sflag:s13] =	ssyncadd.s32 $0xFFFFC000  }
0xb9: {  	s19 =	sadd.s32 $0x1, s19  }
0xba: {  	p0 =	sne.s32 s19, s11  }
.Ltmp2:
0xbb: {  	[bflag:$0x0] =	sbarrier.arrive $0xFFFF;
	(pc) =	sbr.rel @p0 .LBB2_1-.Ltmp2, $4  }
0xbc: {  	[hbm:s10], [sflag:s6] =	dma.local [spmem:s12], $0x2780  }
0xbd: {  	_ =	swait.ge [sflag:s13], $0x2780  }
0xbe: {  	[sflag:s13] =	ssyncset.done $0x0  }
0xbf: {  	[sflag:s13] =	ssyncadd.s32 $0xFFFFD880  }
0xc0: {  	_ =	sfence.sel $0x180000  }
0xc1: {  	[bflag:$0x0] =	sbarrier.arrive $0xFFFF  }
0xc2: {  	p0 =	sne.s32 s0, $0x0;
	_ =	strace $0x90000047  }
0xc3: {  	s0 =	sadd.s32 @!p0 $0x100000, s1;
	[bflag:$0x2] =	sbarrier.arrive $0xFFFF  }
0xc4: {  	[sflag:s0] =	ssyncadd.tile.s32 @!p0 $0x1;
	_ =	shalt  }
.Lfunc_end2:
_tile_overlayer_lowered:
.L_overlay_start_2:
0xc5: {  	(tag) =	ssettag $0x2  }
0xc6: {  	s0 =	rddreg [dreg:$0x0];
	s2 =	stileid.u32  }
0xc7: {  	s1 =	rddreg [dreg:$0x1];
	p0 =	sne.s32 s2, $0x0  }
0xc8: {  	s3 =	rddreg [dreg:$0x2];
	[bflag:$0x3] =	sbarrier.arrive $0xFFFF;
	s2 =	simm.s32 @!p0 $0x1C02  }
0xc9: {  	[timem:s3], [sflag:s2] =	dma.local @!p0 [hbm:s0], s1  }
0xca: {  	s0 =	simm.s32 @!p0 $0x2  }
0xcb: {  	_ =	swait.ge @!p0 [sflag:s0], s1  }
0xcc: {  	s1 =	ssub.s32 @!p0 $0x0, s1;
	[sflag:s0] =	ssyncset.done @!p0 $0x0  }
0xcd: {  	[sflag:s0] =	ssyncadd.s32 @!p0 s1  }
0xce: {  	[bflag:$0x3] =	sbarrier.arrive $0xFFFF  }
0xcf: {  	_ =	shalt  }

</sc_bundles>
